<compile_context>
chip_gen: v7x
topology: tpu7x:2x2x1
jax: 0.10.2.dev20260603
libtpu: 0.0.44.dev20260713+nightly
codegen_flags: <defaults>
</compile_context>

<pallas_src>
import functools

import jax
import jax.numpy as jnp
from jax import lax
from jax.experimental import pallas as pl
from jax.experimental.pallas import tpu as pltpu
from jax.experimental.pallas import tpu_sc as plsc

_E = 8
_D = 1024
_F = 512
_T = 2048
_G = 256
_NT = _T // _G
_S = _NT + _E - 1
_G_SHIFT = _G.bit_length() - 1
_SM = ((_S + 7) // 8) * 8
_FH = _F // 2


def _router_body(x_ref, rw_ref, xpk_ref, pos_ref, meta_ref, off_ref):
    xx = x_ref[...]
    ia = lax.bitcast_convert_type(
        xx[:, :_D // 2].astype(jnp.bfloat16).astype(jnp.float32),
        jnp.int32)
    ib = lax.bitcast_convert_type(
        xx[:, _D // 2:].astype(jnp.bfloat16).astype(jnp.float32),
        jnp.int32)
    xpk_ref[...] = ia | lax.shift_right_logical(ib, 16)
    logits = jnp.dot(xx, rw_ref[...],
                     preferred_element_type=jnp.float32)
    m = jnp.max(logits, axis=1, keepdims=True)
    cols = lax.broadcasted_iota(jnp.int32, (_T, _E), 1)
    amax = jnp.min(jnp.where(logits == m, cols, _E), axis=1,
                   keepdims=True)
    oh = (cols == amax).astype(jnp.float32)
    incl = oh
    k = 1
    while k < _T:
        shifted = jnp.concatenate(
            [jnp.zeros((k, _E), jnp.float32), incl[:_T - k]], axis=0)
        incl = incl + shifted
        k *= 2
    counts = incl[_T - 1:_T, :]
    tri = (lax.broadcasted_iota(jnp.int32, (_E, _E), 0) <
           lax.broadcasted_iota(jnp.int32, (_E, _E), 1)
           ).astype(jnp.float32)
    offv = jnp.dot(counts, tri, preferred_element_type=jnp.float32,
                   precision=lax.Precision.HIGHEST)
    rank = jnp.sum(oh * (incl - 1.0), axis=1, keepdims=True)
    base = jnp.sum(oh * offv, axis=1, keepdims=True)
    pos_ref[...] = (rank + base).astype(jnp.int32)

    counts_i = counts.astype(jnp.int32)
    off_i = offv.astype(jnp.int32)
    nonempty = counts_i > 0
    first_t = jnp.where(nonempty, off_i >> _G_SHIFT, 0)
    last_t = jnp.where(nonempty,
                       (off_i + counts_i - 1) >> _G_SHIFT, -1)
    nsteps = jnp.where(nonempty, last_t - first_t + 1, 0)
    tri_i = (lax.broadcasted_iota(jnp.int32, (_E, _E), 0) <=
             lax.broadcasted_iota(jnp.int32, (_E, _E), 1)
             ).astype(jnp.float32)
    cum = jnp.dot(nsteps.astype(jnp.float32), tri_i,
                  preferred_element_type=jnp.float32,
                  precision=lax.Precision.HIGHEST).astype(jnp.int32)
    prev = cum - nsteps
    adj = first_t - prev
    sidx16 = lax.broadcasted_iota(jnp.int32, (_SM, _E), 0)
    lane8 = lax.broadcasted_iota(jnp.int32, (_SM, _E), 1)
    se = jnp.sum(
        (sidx16 >= jnp.broadcast_to(cum, (_SM, _E))).astype(jnp.int32),
        axis=1, keepdims=True)
    oh_e = (lane8 == jnp.minimum(se, _E - 1)).astype(jnp.int32)
    a = jnp.sum(oh_e * jnp.broadcast_to(adj, (_SM, _E)), axis=1,
                keepdims=True)
    scol = lax.broadcasted_iota(jnp.int32, (_SM, 1), 0)
    tile = jnp.where(se < _E, scol + a, _NT - 1)
    meta_ref[...] = jnp.concatenate([tile, se], axis=1)
    off_ref[...] = jnp.concatenate(
        [off_i, jnp.full((1, 4), _T, jnp.int32)], axis=1)


def _router_tc(xf, router_w):
    return pl.pallas_call(
        _router_body,
        out_shape=(
            jax.ShapeDtypeStruct((_T, _D // 2), jnp.int32),
            jax.ShapeDtypeStruct((_T, 1), jnp.int32),
            jax.ShapeDtypeStruct((_SM, 2), jnp.int32),
            jax.ShapeDtypeStruct((1, _E + 4), jnp.int32),
        ),
    )(xf, router_w)


def _sc_permute(xpk, pos):
    dw = _D // 2
    info = plsc.get_sparse_core_info()
    nw = info.num_cores * info.num_subcores
    ch = _T // nw
    mesh = plsc.VectorSubcoreMesh(core_axis_name="c", subcore_axis_name="s")

    @functools.partial(
        pl.kernel,
        mesh=mesh,
        out_type=jax.ShapeDtypeStruct((_T, dw), jnp.int32),
        scratch_types=[
            pltpu.VMEM((ch,), jnp.int32),
            pltpu.VMEM((ch, dw), jnp.int32),
            pltpu.SemaphoreType.DMA,
        ],
    )
    def k(x_hbm, pos_hbm, out_hbm, idx_v, rows_v, sem):
        wid = lax.axis_index("s") * info.num_cores + lax.axis_index("c")
        b = wid * ch
        pltpu.sync_copy(pos_hbm.at[pl.ds(b, ch)], idx_v)
        pltpu.sync_copy(x_hbm.at[pl.ds(b, ch)], rows_v)
        pltpu.async_copy(rows_v, out_hbm.at[idx_v], sem).wait()

    return k(xpk, pos)


_NBUF = 3


def _gmm_body(meta_ref, off_ref, x_ref, w1_hbm, w3_hbm, w2_hbm, out_ref,
              w1b, w3b, w2b, sem1, sem3, sem2):
    s = pl.program_id(0)
    t = meta_ref[s, 0]
    e = meta_ref[s, 1]
    ew = jnp.minimum(e, _E - 1)
    cur_slot = meta_ref[s, 2]
    chg = meta_ref[s, 3]
    issue_e = meta_ref[s, 4]
    issue_slot = meta_ref[s, 5]
    e1 = meta_ref[s, 6]

    def _issue(expert, slot):
        pltpu.make_async_copy(w1_hbm.at[expert], w1b.at[slot],
                              sem1.at[slot]).start()
        pltpu.make_async_copy(w3_hbm.at[expert], w3b.at[slot],
                              sem3.at[slot]).start()
        pltpu.make_async_copy(w2_hbm.at[expert], w2b.at[slot],
                              sem2.at[slot]).start()

    @pl.when(s == 0)
    def _():
        _issue(ew, 0)

        @pl.when(e1 >= 0)
        def _():
            _issue(e1, 1)

    @pl.when(jnp.logical_and(chg == 1, issue_e >= 0))
    def _():
        _issue(issue_e, issue_slot)

    @pl.when(chg == 1)
    def _():
        pltpu.make_async_copy(w1_hbm.at[ew], w1b.at[cur_slot],
                              sem1.at[cur_slot]).wait()
        pltpu.make_async_copy(w3_hbm.at[ew], w3b.at[cur_slot],
                              sem3.at[cur_slot]).wait()
        pltpu.make_async_copy(w2_hbm.at[ew], w2b.at[cur_slot],
                              sem2.at[cur_slot]).wait()

    lo = off_ref[0, e]
    hi = off_ref[0, e + 1]
    gid = t * _G + lax.broadcasted_iota(jnp.int32, (_G, 1), 0)
    mask = jnp.logical_and(gid >= lo, gid < hi)
    xp = x_ref[...]
    fa = lax.bitcast_convert_type(
        jnp.bitwise_and(xp, jnp.int32(-65536)), jnp.float32)
    fb = lax.bitcast_convert_type(
        lax.shift_left(xp, jnp.int32(16)), jnp.float32)
    xw = jnp.concatenate([fa, fb], axis=1)
    xm = jnp.where(mask, xw, 0.0).astype(jnp.bfloat16)
    g = jnp.dot(xm, w1b[cur_slot].astype(jnp.bfloat16),
                preferred_element_type=jnp.float32)
    u = jnp.dot(xm, w3b[cur_slot].astype(jnp.bfloat16),
                preferred_element_type=jnp.float32)
    h = (g * jax.nn.sigmoid(g) * u).astype(jnp.bfloat16)
    y = jnp.dot(h, w2b[cur_slot].astype(jnp.bfloat16),
                preferred_element_type=jnp.float32)
    first = jnp.logical_or(s == 0, meta_ref[jnp.maximum(s - 1, 0), 0] != t)

    @pl.when(first)
    def _():
        out_ref[...] = y

    @pl.when(jnp.logical_not(first))
    def _():
        out_ref[...] += y


def _gmm_tc(routed, w1, w3, w2, meta2, off_row):
    grid_spec = pltpu.PrefetchScalarGridSpec(
        num_scalar_prefetch=2,
        grid=(_S,),
        in_specs=[
            pl.BlockSpec((_G, _D // 2), lambda s, m, o: (m[s, 0], 0)),
            pl.BlockSpec(memory_space=pl.ANY),
            pl.BlockSpec(memory_space=pl.ANY),
            pl.BlockSpec(memory_space=pl.ANY),
        ],
        out_specs=pl.BlockSpec((_G, _D), lambda s, m, o: (m[s, 0], 0)),
        scratch_shapes=[
            pltpu.VMEM((_NBUF, _D, _F), jnp.float32),
            pltpu.VMEM((_NBUF, _D, _F), jnp.float32),
            pltpu.VMEM((_NBUF, _F, _D), jnp.float32),
            pltpu.SemaphoreType.DMA((_NBUF,)),
            pltpu.SemaphoreType.DMA((_NBUF,)),
            pltpu.SemaphoreType.DMA((_NBUF,)),
        ],
    )
    return pl.pallas_call(
        _gmm_body,
        grid_spec=grid_spec,
        out_shape=jax.ShapeDtypeStruct((_T, _D), jnp.float32),
        compiler_params=pltpu.CompilerParams(
            dimension_semantics=("arbitrary",)),
    )(meta2, off_row, routed, w1, w3, w2)


def kernel(x, router_w, w1, w2, w3):
    b, s, d = x.shape
    xf = x.reshape(b * s, d)

    xpk, pos2d, meta, off_row = _router_tc(xf, router_w)

    tilec = meta[:_S, 0]
    eraw = meta[:_S, 1]
    ex = jnp.minimum(eraw, _E - 1)
    chg = jnp.concatenate(
        [jnp.ones((1,), jnp.int32), (ex[1:] != ex[:-1]).astype(jnp.int32)])
    occ = jnp.cumsum(chg) - 1
    nocc = occ[_S - 1] + 1
    sidx = jnp.arange(_S, dtype=jnp.int32)
    uexp = jnp.sum(
        jnp.where((occ[None, :] == sidx[:, None]) & (chg[None, :] == 1),
                  ex[None, :], 0), axis=1).astype(jnp.int32)
    lka = _NBUF - 1
    lookv = jnp.sum(
        jnp.where((occ[:, None] + lka) == sidx[None, :], uexp[None, :], 0),
        axis=1).astype(jnp.int32)
    can_issue = jnp.logical_and(chg == 1, occ + lka < nocc)
    issue_e = jnp.where(can_issue, lookv, -1)
    issue_slot = ((occ + lka) % _NBUF).astype(jnp.int32)
    e1 = jnp.where(nocc >= 2, uexp[1], -1)
    e2 = jnp.where(nocc >= 3, uexp[2], -1)
    meta2 = jnp.stack(
        [tilec, eraw, (occ % _NBUF).astype(jnp.int32), chg, issue_e,
         issue_slot, jnp.broadcast_to(e1, (_S,)),
         jnp.broadcast_to(e2, (_S,))], axis=1)

    routed = _sc_permute(xpk, pos2d.reshape(_T))
    out = _gmm_tc(routed, w1, w3, w2, meta2, off_row)
    return out.reshape(b, s, d)

# --- scband reference (transcript-rebuilt; emitter-appended) ---
"""Pipeline reference for scband-deep-seek-v3-mo-e-18442589569146 (READ-ONLY COPY).

The authoritative reference and input builder live on the scoring server;
editing this copy changes nothing except your own understanding.
"""

import jax, jax.numpy as jnp
import numpy as np

E = 8
TOPK = 1
D = 1024
F = 512
B = 1
S = 2048


def setup_inputs(seed: int = 0) -> dict:
    key = jax.random.key(seed)
    ks = jax.random.split(key, 5)
    x = jax.random.normal(ks[0], (B, S, D), dtype=jnp.float32)
    router_w = jax.random.normal(ks[1], (D, E), dtype=jnp.float32) * 0.02
    w1 = jax.random.normal(ks[2], (E, D, F), dtype=jnp.float32) * 0.02
    w3 = jax.random.normal(ks[3], (E, D, F), dtype=jnp.float32) * 0.02
    w2 = jax.random.normal(ks[4], (E, F, D), dtype=jnp.float32) * 0.02
    return {"x": x, "router_w": router_w, "w1": w1, "w2": w2, "w3": w3}


def reference(x, router_w, w1, w2, w3):
    b, s, h = x.shape
    xf = x.reshape(b * s, h)
    # --- router: DeepSeekV3-style sigmoid scoring + top-k token-choice ---
    scores = jax.nn.sigmoid(xf @ router_w)              # [T, E]
    top_scores, selected = jax.lax.top_k(scores, TOPK)  # [T, TOPK]
    flat_sel = selected.reshape(-1)                     # [T*TOPK] expert id per routed slot
    # tokens sorted (grouped) by assigned expert
    token_idxs_sorted = jnp.argsort(flat_sel)           # [T*TOPK]
    num_tokens_per_expert = jnp.bincount(flat_sel, length=E)
    token_idxs = token_idxs_sorted // TOPK              # map routed slot -> source token
    assign = flat_sel[token_idxs_sorted]                # expert id per routed row (sorted)
    # --- gather routed input (torch.gather over dim 0 with expanded idx) ---
    routed = jnp.take(xf, token_idxs, axis=0)           # [T*TOPK, h]
    # --- grouped experts (gated SwiGLU FFN per expert), dense dispatch ---
    dispatch = jax.nn.one_hot(assign, E, dtype=routed.dtype)  # [T, E]
    g = jnp.einsum('th,ehf->etf', routed, w1)
    u = jnp.einsum('th,ehf->etf', routed, w3)
    hdn = jax.nn.silu(g) * u
    ye = jnp.einsum('etf,efh->eth', hdn, w2)
    out = jnp.einsum('eth,te->th', ye, dispatch)        # select each token's own expert output
    return out.reshape(b, s, h)

if __name__ == "__main__":
    import jax
    _d = setup_inputs()
    print(jax.jit(kernel)(*tuple(_d.values())))

</pallas_src>

<mosaic_0001>
#map = affine_map<(d0, d1) -> (0, 0)>
#map1 = affine_map<(d0, d1) -> (0)>
module attributes {stable_mosaic.version = 14 : i64} {
  func.func @k(%arg0: i32, %arg1: i32, %arg2: memref<2048x512xi32, #tpu.memory_space<hbm>>, %arg3: memref<2048xi32, #tpu.memory_space<hbm>>, %arg4: memref<2048x512xi32, #tpu.memory_space<hbm>>, %arg5: memref<64xi32, #tpu.memory_space<vmem>>, %arg6: memref<64x512xi32, #tpu.memory_space<vmem>>, %arg7: memref<!tpu.dma_semaphore, #tpu.memory_space<semaphore_mem>>) attributes {dimension_semantics = [#tpu.dimension_semantics<core_parallel>, #tpu.dimension_semantics<subcore_parallel>], iteration_bounds = array<i64: 2, 16>, scalar_prefetch = 0 : i64, scratch_operands = 3 : i64, tpu.core_type = #tpu.core_type<sc_vector_subcore>, window_params = [{transform_indices = #map}, {transform_indices = #map1}, {transform_indices = #map}]} {
    %mul3A = arith.constant 2 : i32
    %mul3A_0 = arith.muli %arg1, %mul3A : i32
    %add3A = arith.addi %mul3A_0, %arg0 : i32
    %mul3A_1 = arith.constant 64 : i32
    %mul3A_2 = arith.muli %add3A, %mul3A_1 : i32
    "tpu.region"() ({
      %run_scoped3A = tpu.sem_alloc : memref<!tpu.dma_semaphore, #tpu.memory_space<semaphore_mem>>
      %dma_start3A_7 = tpu.memref_slice %arg3[%mul3A_2] : memref<2048xi32, #tpu.memory_space<hbm>> -> memref<64xi32, #tpu.memory_space<hbm>>
      %dma_start3A_8 = tpu.memref_slice %arg3[%mul3A_2] : memref<2048xi32, #tpu.memory_space<hbm>> -> memref<64xi32, #tpu.memory_space<hbm>>
      tpu.enqueue_dma source(%dma_start3A_8 : memref<64xi32, #tpu.memory_space<hbm>>) target(%arg5 : memref<64xi32, #tpu.memory_space<vmem>>) target_semaphore(%run_scoped3A : memref<!tpu.dma_semaphore, #tpu.memory_space<semaphore_mem>>)
      %dma_wait3A_9 = tpu.memref_slice %arg3[%mul3A_2] : memref<2048xi32, #tpu.memory_space<hbm>> -> memref<64xi32, #tpu.memory_space<hbm>>
      %dma_wait3A_10 = tpu.memref_slice %arg3[%mul3A_2] : memref<2048xi32, #tpu.memory_space<hbm>> -> memref<64xi32, #tpu.memory_space<hbm>>
      tpu.wait_dma2 semaphore(%run_scoped3A : memref<!tpu.dma_semaphore, #tpu.memory_space<semaphore_mem>>) src(%dma_wait3A_10 : memref<64xi32, #tpu.memory_space<hbm>>) dst(%arg5 : memref<64xi32, #tpu.memory_space<vmem>>)
      tpu.yield
    }) : () -> ()
    "tpu.region"() ({
      %run_scoped3A = tpu.sem_alloc : memref<!tpu.dma_semaphore, #tpu.memory_space<semaphore_mem>>
      %dma_start3A_7 = arith.constant 0 : i32
      %dma_start3A_8 = tpu.memref_slice %arg2[%mul3A_2, %dma_start3A_7] : memref<2048x512xi32, #tpu.memory_space<hbm>> -> memref<64x512xi32, #tpu.memory_space<hbm>>
      %dma_start3A_9 = arith.constant 0 : i32
      %dma_start3A_10 = tpu.memref_slice %arg2[%mul3A_2, %dma_start3A_9] : memref<2048x512xi32, #tpu.memory_space<hbm>> -> memref<64x512xi32, #tpu.memory_space<hbm>>
      tpu.enqueue_dma source(%dma_start3A_10 : memref<64x512xi32, #tpu.memory_space<hbm>>) target(%arg6 : memref<64x512xi32, #tpu.memory_space<vmem>>) target_semaphore(%run_scoped3A : memref<!tpu.dma_semaphore, #tpu.memory_space<semaphore_mem>>)
      %dma_wait3A_11 = arith.constant 0 : i32
      %dma_wait3A_12 = tpu.memref_slice %arg2[%mul3A_2, %dma_wait3A_11] : memref<2048x512xi32, #tpu.memory_space<hbm>> -> memref<64x512xi32, #tpu.memory_space<hbm>>
      %dma_wait3A_13 = arith.constant 0 : i32
      %dma_wait3A_14 = tpu.memref_slice %arg2[%mul3A_2, %dma_wait3A_13] : memref<2048x512xi32, #tpu.memory_space<hbm>> -> memref<64x512xi32, #tpu.memory_space<hbm>>
      tpu.wait_dma2 semaphore(%run_scoped3A : memref<!tpu.dma_semaphore, #tpu.memory_space<semaphore_mem>>) src(%dma_wait3A_14 : memref<64x512xi32, #tpu.memory_space<hbm>>) dst(%arg6 : memref<64x512xi32, #tpu.memory_space<vmem>>)
      tpu.yield
    }) : () -> ()
    %dma_start3A = arith.constant 0 : i32
    %dma_start3A_3 = arith.constant 0 : i32
    %dma_start3A_4 = tpu.memref_slice %arg4[%dma_start3A, %dma_start3A_3] : memref<2048x512xi32, #tpu.memory_space<hbm>> -> memref<2048x512xi32, #tpu.memory_space<hbm>>
    tpu.enqueue_indirect_dma source(%arg6 : memref<64x512xi32, #tpu.memory_space<vmem>>) target(%dma_start3A_4 : memref<2048x512xi32, #tpu.memory_space<hbm>>) offsets(%arg5 : memref<64xi32, #tpu.memory_space<vmem>>) semaphore(%arg7 : memref<!tpu.dma_semaphore, #tpu.memory_space<semaphore_mem>>)
    %dma_wait3A = arith.constant 0 : i32
    %dma_wait3A_5 = arith.constant 0 : i32
    %dma_wait3A_6 = tpu.memref_slice %arg4[%dma_wait3A, %dma_wait3A_5] : memref<2048x512xi32, #tpu.memory_space<hbm>> -> memref<2048x512xi32, #tpu.memory_space<hbm>>
    tpu.wait_indirect_dma semaphore(%arg7 : memref<!tpu.dma_semaphore, #tpu.memory_space<semaphore_mem>>) src(%arg6 : memref<64x512xi32, #tpu.memory_space<vmem>>) dst(%dma_wait3A_6 : memref<2048x512xi32, #tpu.memory_space<hbm>>)
    return
  }
}

module attributes {stable_mosaic.version = 14 : i64} {
  func.func @_router_body(%arg0: memref<2048x1024xf32, #tpu.memory_space<vmem>>, %arg1: memref<1024x8xf32, #tpu.memory_space<vmem>>, %arg2: memref<2048x512xi32, #tpu.memory_space<vmem>>, %arg3: memref<2048x1xi32, #tpu.memory_space<vmem>>, %arg4: memref<16x2xi32, #tpu.memory_space<vmem>>, %arg5: memref<1x12xi32, #tpu.memory_space<vmem>>) attributes {dimension_semantics = [], scalar_prefetch = 0 : i64, scratch_operands = 0 : i64, tpu.core_type = #tpu.core_type<tc>} {
    %get3A = arith.constant 0 : index
    %get3A_0 = arith.constant 0 : index
    %get3A_1 = vector.load %arg0[%get3A, %get3A_0] : memref<2048x1024xf32, #tpu.memory_space<vmem>>, vector<2048x1024xf32>
    %slice3A = vector.extract_strided_slice %get3A_1 {offsets = [0, 0], sizes = [2048, 512], strides = [1, 1]} : vector<2048x1024xf32> to vector<2048x512xf32>
    %convert_element_type3A = arith.truncf %slice3A : vector<2048x512xf32> to vector<2048x512xbf16>
    %convert_element_type3A_2 = arith.extf %convert_element_type3A : vector<2048x512xbf16> to vector<2048x512xf32>
    %bitcast_convert_type3A = tpu.bitcast %convert_element_type3A_2 : vector<2048x512xf32> -> vector<2048x512xi32>
    %slice3A_3 = vector.extract_strided_slice %get3A_1 {offsets = [0, 512], sizes = [2048, 512], strides = [1, 1]} : vector<2048x1024xf32> to vector<2048x512xf32>
    %convert_element_type3A_4 = arith.truncf %slice3A_3 : vector<2048x512xf32> to vector<2048x512xbf16>
    %convert_element_type3A_5 = arith.extf %convert_element_type3A_4 : vector<2048x512xbf16> to vector<2048x512xf32>
    %bitcast_convert_type3A_6 = tpu.bitcast %convert_element_type3A_5 : vector<2048x512xf32> -> vector<2048x512xi32>
    %shift_right_logical3A = arith.constant 16 : i32
    %shift_right_logical3A_7 = vector.broadcast %shift_right_logical3A : i32 to vector<2048x512xi32>
    %shift_right_logical3A_8 = arith.shrui %bitcast_convert_type3A_6, %shift_right_logical3A_7 : vector<2048x512xi32>
    %or3A = arith.ori %bitcast_convert_type3A, %shift_right_logical3A_8 : vector<2048x512xi32>
    %swap3A = arith.constant 0 : index
    %swap3A_9 = arith.constant 0 : index
    %swap3A_10 = vector.load %arg2[%swap3A, %swap3A_9] : memref<2048x512xi32, #tpu.memory_space<vmem>>, vector<2048x512xi32>
    tpu.vector_store %arg2[%swap3A, %swap3A_9], %or3A {strides = array<i32>} : memref<2048x512xi32, #tpu.memory_space<vmem>>, vector<2048x512xi32>,
    %get3A_11 = arith.constant 0 : index
    %get3A_12 = arith.constant 0 : index
    %get3A_13 = vector.load %arg1[%get3A_11, %get3A_12] : memref<1024x8xf32, #tpu.memory_space<vmem>>, vector<1024x8xf32>
    %dot_general3A = arith.constant dense<0.000000e+00> : vector<2048x8xf32>
    %dot_general3A_14 = tpu.matmul %get3A_1, %get3A_13, %dot_general3A {dimension_numbers = #tpu.dot_dimension_numbers<[1], [0], [0], [1], [0, 0, 1, 1], [], []>, transpose_lhs_hint = false} : vector<2048x1024xf32>, vector<1024x8xf32>, vector<2048x8xf32> -> vector<2048x8xf32>
    %reduce_max3A = arith.constant dense<0xFF800000> : vector<2048xf32>
    %reduce_max3A_15 = vector.multi_reduction <maximumf>, %dot_general3A_14, %reduce_max3A [1] : vector<2048x8xf32> to vector<2048xf32>
    %broadcast_in_dim3A = vector.shape_cast %reduce_max3A_15 : vector<2048xf32> to vector<2048x1xf32>
    %iota3A = tpu.iota {dimensions = array<i32: 1>} : vector<2048x8xi32>
    %eq3A = vector.broadcast %broadcast_in_dim3A : vector<2048x1xf32> to vector<2048x8xf32>
    %eq3A_16 = arith.cmpf oeq, %dot_general3A_14, %eq3A : vector<2048x8xf32>
    %jit3A = arith.constant 8 : i32
    %broadcast_in_dim3A_17 = vector.broadcast %jit3A : i32 to vector<2048x8xi32>
    %select_n3A = arith.select %eq3A_16, %iota3A, %broadcast_in_dim3A_17 : vector<2048x8xi1>, vector<2048x8xi32>
    %reduce_min3A = arith.constant dense<2147483647> : vector<2048xi32>
    %reduce_min3A_18 = vector.multi_reduction <minsi>, %select_n3A, %reduce_min3A [1] : vector<2048x8xi32> to vector<2048xi32>
    %broadcast_in_dim3A_19 = vector.shape_cast %reduce_min3A_18 : vector<2048xi32> to vector<2048x1xi32>
    %eq3A_20 = vector.broadcast %broadcast_in_dim3A_19 : vector<2048x1xi32> to vector<2048x8xi32>
    %eq3A_21 = arith.cmpi eq, %iota3A, %eq3A_20 : vector<2048x8xi32>
    %convert_element_type3A_22 = arith.extui %eq3A_21 : vector<2048x8xi1> to vector<2048x8xi32>
    %convert_element_type3A_23 = arith.sitofp %convert_element_type3A_22 : vector<2048x8xi32> to vector<2048x8xf32>
    %broadcast_in_dim3A_24 = arith.constant 0.000000e+00 : f32
    %broadcast_in_dim3A_25 = vector.broadcast %broadcast_in_dim3A_24 : f32 to vector<1x8xf32>
    %slice3A_26 = vector.extract_strided_slice %convert_element_type3A_23 {offsets = [0, 0], sizes = [2047, 8], strides = [1, 1]} : vector<2048x8xf32> to vector<2047x8xf32>
    %concatenate3A = tpu.concatenate %broadcast_in_dim3A_25, %slice3A_26 in 0 : vector<1x8xf32>, vector<2047x8xf32> -> vector<2048x8xf32>
    %add3A = arith.addf %convert_element_type3A_23, %concatenate3A : vector<2048x8xf32>
    %broadcast_in_dim3A_27 = arith.constant 0.000000e+00 : f32
    %broadcast_in_dim3A_28 = vector.broadcast %broadcast_in_dim3A_27 : f32 to vector<2x8xf32>
    %slice3A_29 = vector.extract_strided_slice %add3A {offsets = [0, 0], sizes = [2046, 8], strides = [1, 1]} : vector<2048x8xf32> to vector<2046x8xf32>
    %concatenate3A_30 = tpu.concatenate %broadcast_in_dim3A_28, %slice3A_29 in 0 : vector<2x8xf32>, vector<2046x8xf32> -> vector<2048x8xf32>
    %add3A_31 = arith.addf %add3A, %concatenate3A_30 : vector<2048x8xf32>
    %broadcast_in_dim3A_32 = arith.constant 0.000000e+00 : f32
    %broadcast_in_dim3A_33 = vector.broadcast %broadcast_in_dim3A_32 : f32 to vector<4x8xf32>
    %slice3A_34 = vector.extract_strided_slice %add3A_31 {offsets = [0, 0], sizes = [2044, 8], strides = [1, 1]} : vector<2048x8xf32> to vector<2044x8xf32>
    %concatenate3A_35 = tpu.concatenate %broadcast_in_dim3A_33, %slice3A_34 in 0 : vector<4x8xf32>, vector<2044x8xf32> -> vector<2048x8xf32>
    %add3A_36 = arith.addf %add3A_31, %concatenate3A_35 : vector<2048x8xf32>
    %broadcast_in_dim3A_37 = arith.constant 0.000000e+00 : f32
    %broadcast_in_dim3A_38 = vector.broadcast %broadcast_in_dim3A_37 : f32 to vector<8x8xf32>
    %slice3A_39 = vector.extract_strided_slice %add3A_36 {offsets = [0, 0], sizes = [2040, 8], strides = [1, 1]} : vector<2048x8xf32> to vector<2040x8xf32>
    %concatenate3A_40 = tpu.concatenate %broadcast_in_dim3A_38, %slice3A_39 in 0 : vector<8x8xf32>, vector<2040x8xf32> -> vector<2048x8xf32>
    %add3A_41 = arith.addf %add3A_36, %concatenate3A_40 : vector<2048x8xf32>
    %broadcast_in_dim3A_42 = arith.constant 0.000000e+00 : f32
    %broadcast_in_dim3A_43 = vector.broadcast %broadcast_in_dim3A_42 : f32 to vector<16x8xf32>
    %slice3A_44 = vector.extract_strided_slice %add3A_41 {offsets = [0, 0], sizes = [2032, 8], strides = [1, 1]} : vector<2048x8xf32> to vector<2032x8xf32>
    %concatenate3A_45 = tpu.concatenate %broadcast_in_dim3A_43, %slice3A_44 in 0 : vector<16x8xf32>, vector<2032x8xf32> -> vector<2048x8xf32>
    %add3A_46 = arith.addf %add3A_41, %concatenate3A_45 : vector<2048x8xf32>
    %broadcast_in_dim3A_47 = arith.constant 0.000000e+00 : f32
    %broadcast_in_dim3A_48 = vector.broadcast %broadcast_in_dim3A_47 : f32 to vector<32x8xf32>
    %slice3A_49 = vector.extract_strided_slice %add3A_46 {offsets = [0, 0], sizes = [2016, 8], strides = [1, 1]} : vector<2048x8xf32> to vector<2016x8xf32>
    %concatenate3A_50 = tpu.concatenate %broadcast_in_dim3A_48, %slice3A_49 in 0 : vector<32x8xf32>, vector<2016x8xf32> -> vector<2048x8xf32>
    %add3A_51 = arith.addf %add3A_46, %concatenate3A_50 : vector<2048x8xf32>
    %broadcast_in_dim3A_52 = arith.constant 0.000000e+00 : f32
    %broadcast_in_dim3A_53 = vector.broadcast %broadcast_in_dim3A_52 : f32 to vector<64x8xf32>
    %slice3A_54 = vector.extract_strided_slice %add3A_51 {offsets = [0, 0], sizes = [1984, 8], strides = [1, 1]} : vector<2048x8xf32> to vector<1984x8xf32>
    %concatenate3A_55 = tpu.concatenate %broadcast_in_dim3A_53, %slice3A_54 in 0 : vector<64x8xf32>, vector<1984x8xf32> -> vector<2048x8xf32>
    %add3A_56 = arith.addf %add3A_51, %concatenate3A_55 : vector<2048x8xf32>
    %broadcast_in_dim3A_57 = arith.constant 0.000000e+00 : f32
    %broadcast_in_dim3A_58 = vector.broadcast %broadcast_in_dim3A_57 : f32 to vector<128x8xf32>
    %slice3A_59 = vector.extract_strided_slice %add3A_56 {offsets = [0, 0], sizes = [1920, 8], strides = [1, 1]} : vector<2048x8xf32> to vector<1920x8xf32>
    %concatenate3A_60 = tpu.concatenate %broadcast_in_dim3A_58, %slice3A_59 in 0 : vector<128x8xf32>, vector<1920x8xf32> -> vector<2048x8xf32>
    %add3A_61 = arith.addf %add3A_56, %concatenate3A_60 : vector<2048x8xf32>
    %broadcast_in_dim3A_62 = arith.constant 0.000000e+00 : f32
    %broadcast_in_dim3A_63 = vector.broadcast %broadcast_in_dim3A_62 : f32 to vector<256x8xf32>
    %slice3A_64 = vector.extract_strided_slice %add3A_61 {offsets = [0, 0], sizes = [1792, 8], strides = [1, 1]} : vector<2048x8xf32> to vector<1792x8xf32>
    %concatenate3A_65 = tpu.concatenate %broadcast_in_dim3A_63, %slice3A_64 in 0 : vector<256x8xf32>, vector<1792x8xf32> -> vector<2048x8xf32>
    %add3A_66 = arith.addf %add3A_61, %concatenate3A_65 : vector<2048x8xf32>
    %broadcast_in_dim3A_67 = arith.constant 0.000000e+00 : f32
    %broadcast_in_dim3A_68 = vector.broadcast %broadcast_in_dim3A_67 : f32 to vector<512x8xf32>
    %slice3A_69 = vector.extract_strided_slice %add3A_66 {offsets = [0, 0], sizes = [1536, 8], strides = [1, 1]} : vector<2048x8xf32> to vector<1536x8xf32>
    %concatenate3A_70 = tpu.concatenate %broadcast_in_dim3A_68, %slice3A_69 in 0 : vector<512x8xf32>, vector<1536x8xf32> -> vector<2048x8xf32>
    %add3A_71 = arith.addf %add3A_66, %concatenate3A_70 : vector<2048x8xf32>
    %broadcast_in_dim3A_72 = arith.constant 0.000000e+00 : f32
    %broadcast_in_dim3A_73 = vector.broadcast %broadcast_in_dim3A_72 : f32 to vector<1024x8xf32>
    %slice3A_74 = vector.extract_strided_slice %add3A_71 {offsets = [0, 0], sizes = [1024, 8], strides = [1, 1]} : vector<2048x8xf32> to vector<1024x8xf32>
    %concatenate3A_75 = tpu.concatenate %broadcast_in_dim3A_73, %slice3A_74 in 0 : vector<1024x8xf32>, vector<1024x8xf32> -> vector<2048x8xf32>
    %add3A_76 = arith.addf %add3A_71, %concatenate3A_75 : vector<2048x8xf32>
    %slice3A_77 = vector.extract_strided_slice %add3A_76 {offsets = [2047, 0], sizes = [1, 8], strides = [1, 1]} : vector<2048x8xf32> to vector<1x8xf32>
    %iota3A_78 = tpu.iota {dimensions = array<i32: 0>} : vector<8x8xi32>
    %iota3A_79 = tpu.iota {dimensions = array<i32: 1>} : vector<8x8xi32>
    %lt3A = arith.cmpi slt, %iota3A_78, %iota3A_79 : vector<8x8xi32>
    %convert_element_type3A_80 = arith.extui %lt3A : vector<8x8xi1> to vector<8x8xi32>
    %convert_element_type3A_81 = arith.sitofp %convert_element_type3A_80 : vector<8x8xi32> to vector<8x8xf32>
    %dot_general3A_82 = arith.constant dense<0.000000e+00> : vector<1x8xf32>
    %dot_general3A_83 = tpu.matmul %slice3A_77, %convert_element_type3A_81, %dot_general3A_82 {dimension_numbers = #tpu.dot_dimension_numbers<[1], [0], [0], [1], [0, 0, 1, 1], [], []>, precision = #tpu.contract_precision<fp32>, transpose_lhs_hint = false} : vector<1x8xf32>, vector<8x8xf32>, vector<1x8xf32> -> vector<1x8xf32>
    %sub3A = arith.constant 1.000000e+00 : f32
    %sub3A_84 = vector.broadcast %sub3A : f32 to vector<2048x8xf32>
    %sub3A_85 = arith.subf %add3A_76, %sub3A_84 : vector<2048x8xf32>
    %mul3A = arith.mulf %convert_element_type3A_23, %sub3A_85 : vector<2048x8xf32>
    %reduce_sum3A = arith.constant dense<0.000000e+00> : vector<2048xf32>
    %reduce_sum3A_86 = vector.multi_reduction <add>, %mul3A, %reduce_sum3A [1] : vector<2048x8xf32> to vector<2048xf32>
    %broadcast_in_dim3A_87 = vector.shape_cast %reduce_sum3A_86 : vector<2048xf32> to vector<2048x1xf32>
    %mul3A_88 = vector.broadcast %dot_general3A_83 : vector<1x8xf32> to vector<2048x8xf32>
    %mul3A_89 = arith.mulf %convert_element_type3A_23, %mul3A_88 : vector<2048x8xf32>
    %reduce_sum3A_90 = arith.constant dense<0.000000e+00> : vector<2048xf32>
    %reduce_sum3A_91 = vector.multi_reduction <add>, %mul3A_89, %reduce_sum3A_90 [1] : vector<2048x8xf32> to vector<2048xf32>
    %broadcast_in_dim3A_92 = vector.shape_cast %reduce_sum3A_91 : vector<2048xf32> to vector<2048x1xf32>
    %add3A_93 = arith.addf %broadcast_in_dim3A_87, %broadcast_in_dim3A_92 : vector<2048x1xf32>
    %convert_element_type3A_94 = arith.fptosi %add3A_93 : vector<2048x1xf32> to vector<2048x1xi32>
    %swap3A_95 = arith.constant 0 : index
    %swap3A_96 = arith.constant 0 : index
    %swap3A_97 = vector.load %arg3[%swap3A_95, %swap3A_96] : memref<2048x1xi32, #tpu.memory_space<vmem>>, vector<2048x1xi32>
    tpu.vector_store %arg3[%swap3A_95, %swap3A_96], %convert_element_type3A_94 {strides = array<i32>} : memref<2048x1xi32, #tpu.memory_space<vmem>>, vector<2048x1xi32>,
    %convert_element_type3A_98 = arith.fptosi %slice3A_77 : vector<1x8xf32> to vector<1x8xi32>
    %convert_element_type3A_99 = arith.fptosi %dot_general3A_83 : vector<1x8xf32> to vector<1x8xi32>
    %gt3A = arith.constant 0 : i32
    %gt3A_100 = vector.broadcast %gt3A : i32 to vector<1x8xi32>
    %gt3A_101 = arith.cmpi sgt, %convert_element_type3A_98, %gt3A_100 : vector<1x8xi32>
    %shift_right_arithmetic3A = arith.constant 8 : i32
    %shift_right_arithmetic3A_102 = vector.broadcast %shift_right_arithmetic3A : i32 to vector<1x8xi32>
    %shift_right_arithmetic3A_103 = arith.shrsi %convert_element_type3A_99, %shift_right_arithmetic3A_102 : vector<1x8xi32>
    %jit3A_104 = arith.constant 0 : i32
    %broadcast_in_dim3A_105 = vector.broadcast %jit3A_104 : i32 to vector<1x8xi32>
    %select_n3A_106 = arith.select %gt3A_101, %shift_right_arithmetic3A_103, %broadcast_in_dim3A_105 : vector<1x8xi1>, vector<1x8xi32>
    %add3A_107 = arith.addi %convert_element_type3A_99, %convert_element_type3A_98 : vector<1x8xi32>
    %sub3A_108 = arith.constant 1 : i32
    %sub3A_109 = vector.broadcast %sub3A_108 : i32 to vector<1x8xi32>
    %sub3A_110 = arith.subi %add3A_107, %sub3A_109 : vector<1x8xi32>
    %shift_right_arithmetic3A_111 = arith.constant 8 : i32
    %shift_right_arithmetic3A_112 = vector.broadcast %shift_right_arithmetic3A_111 : i32 to vector<1x8xi32>
    %shift_right_arithmetic3A_113 = arith.shrsi %sub3A_110, %shift_right_arithmetic3A_112 : vector<1x8xi32>
    %jit3A_114 = arith.constant -1 : i32
    %broadcast_in_dim3A_115 = vector.broadcast %jit3A_114 : i32 to vector<1x8xi32>
    %select_n3A_116 = arith.select %gt3A_101, %shift_right_arithmetic3A_113, %broadcast_in_dim3A_115 : vector<1x8xi1>, vector<1x8xi32>
    %sub3A_117 = arith.subi %select_n3A_116, %select_n3A_106 : vector<1x8xi32>
    %add3A_118 = arith.constant 1 : i32
    %add3A_119 = vector.broadcast %add3A_118 : i32 to vector<1x8xi32>
    %add3A_120 = arith.addi %sub3A_117, %add3A_119 : vector<1x8xi32>
    %jit3A_121 = arith.constant 0 : i32
    %broadcast_in_dim3A_122 = vector.broadcast %jit3A_121 : i32 to vector<1x8xi32>
    %select_n3A_123 = arith.select %gt3A_101, %add3A_120, %broadcast_in_dim3A_122 : vector<1x8xi1>, vector<1x8xi32>
    %iota3A_124 = tpu.iota {dimensions = array<i32: 0>} : vector<8x8xi32>
    %iota3A_125 = tpu.iota {dimensions = array<i32: 1>} : vector<8x8xi32>
    %le3A = arith.cmpi sle, %iota3A_124, %iota3A_125 : vector<8x8xi32>
    %convert_element_type3A_126 = arith.extui %le3A : vector<8x8xi1> to vector<8x8xi32>
    %convert_element_type3A_127 = arith.sitofp %convert_element_type3A_126 : vector<8x8xi32> to vector<8x8xf32>
    %convert_element_type3A_128 = arith.sitofp %select_n3A_123 : vector<1x8xi32> to vector<1x8xf32>
    %dot_general3A_129 = arith.constant dense<0.000000e+00> : vector<1x8xf32>
    %dot_general3A_130 = tpu.matmul %convert_element_type3A_128, %convert_element_type3A_127, %dot_general3A_129 {dimension_numbers = #tpu.dot_dimension_numbers<[1], [0], [0], [1], [0, 0, 1, 1], [], []>, precision = #tpu.contract_precision<fp32>, transpose_lhs_hint = false} : vector<1x8xf32>, vector<8x8xf32>, vector<1x8xf32> -> vector<1x8xf32>
    %convert_element_type3A_131 = arith.fptosi %dot_general3A_130 : vector<1x8xf32> to vector<1x8xi32>
    %sub3A_132 = arith.subi %convert_element_type3A_131, %select_n3A_123 : vector<1x8xi32>
    %sub3A_133 = arith.subi %select_n3A_106, %sub3A_132 : vector<1x8xi32>
    %iota3A_134 = tpu.iota {dimensions = array<i32: 0>} : vector<16x8xi32>
    %iota3A_135 = tpu.iota {dimensions = array<i32: 1>} : vector<16x8xi32>
    %broadcast_in_dim3A_136 = vector.shape_cast %convert_element_type3A_131 : vector<1x8xi32> to vector<1x8xi32>
    %broadcast_in_dim3A_137 = vector.broadcast %broadcast_in_dim3A_136 : vector<1x8xi32> to vector<16x8xi32>
    %ge3A = arith.cmpi sge, %iota3A_134, %broadcast_in_dim3A_137 : vector<16x8xi32>
    %convert_element_type3A_138 = arith.extui %ge3A : vector<16x8xi1> to vector<16x8xi32>
    %reduce_sum3A_139 = arith.constant dense<0> : vector<16xi32>
    %reduce_sum3A_140 = vector.multi_reduction <add>, %convert_element_type3A_138, %reduce_sum3A_139 [1] : vector<16x8xi32> to vector<16xi32>
    %broadcast_in_dim3A_141 = vector.shape_cast %reduce_sum3A_140 : vector<16xi32> to vector<16x1xi32>
    %min3A = arith.constant 7 : i32
    %min3A_142 = vector.broadcast %min3A : i32 to vector<16x1xi32>
    %min3A_143 = arith.minsi %broadcast_in_dim3A_141, %min3A_142 : vector<16x1xi32>
    %eq3A_144 = vector.broadcast %min3A_143 : vector<16x1xi32> to vector<16x8xi32>
    %eq3A_145 = arith.cmpi eq, %iota3A_135, %eq3A_144 : vector<16x8xi32>
    %convert_element_type3A_146 = arith.extui %eq3A_145 : vector<16x8xi1> to vector<16x8xi32>
    %broadcast_in_dim3A_147 = vector.shape_cast %sub3A_133 : vector<1x8xi32> to vector<1x8xi32>
    %broadcast_in_dim3A_148 = vector.broadcast %broadcast_in_dim3A_147 : vector<1x8xi32> to vector<16x8xi32>
    %mul3A_149 = arith.muli %convert_element_type3A_146, %broadcast_in_dim3A_148 : vector<16x8xi32>
    %reduce_sum3A_150 = arith.constant dense<0> : vector<16xi32>
    %reduce_sum3A_151 = vector.multi_reduction <add>, %mul3A_149, %reduce_sum3A_150 [1] : vector<16x8xi32> to vector<16xi32>
    %broadcast_in_dim3A_152 = vector.shape_cast %reduce_sum3A_151 : vector<16xi32> to vector<16x1xi32>
    %iota3A_153 = tpu.iota {dimensions = array<i32: 0>} : vector<16x1xi32>
    %lt3A_154 = arith.constant 8 : i32
    %lt3A_155 = vector.broadcast %lt3A_154 : i32 to vector<16x1xi32>
    %lt3A_156 = arith.cmpi slt, %broadcast_in_dim3A_141, %lt3A_155 : vector<16x1xi32>
    %add3A_157 = arith.addi %iota3A_153, %broadcast_in_dim3A_152 : vector<16x1xi32>
    %jit3A_158 = arith.constant 7 : i32
    %broadcast_in_dim3A_159 = vector.broadcast %jit3A_158 : i32 to vector<16x1xi32>
    %select_n3A_160 = arith.select %lt3A_156, %add3A_157, %broadcast_in_dim3A_159 : vector<16x1xi1>, vector<16x1xi32>
    %concatenate3A_161 = tpu.concatenate %select_n3A_160, %broadcast_in_dim3A_141 in 1 : vector<16x1xi32>, vector<16x1xi32> -> vector<16x2xi32>
    %swap3A_162 = arith.constant 0 : index
    %swap3A_163 = arith.constant 0 : index
    %swap3A_164 = vector.load %arg4[%swap3A_162, %swap3A_163] : memref<16x2xi32, #tpu.memory_space<vmem>>, vector<16x2xi32>
    tpu.vector_store %arg4[%swap3A_162, %swap3A_163], %concatenate3A_161 {strides = array<i32>} : memref<16x2xi32, #tpu.memory_space<vmem>>, vector<16x2xi32>,
    %broadcast_in_dim3A_165 = arith.constant 2048 : i32
    %broadcast_in_dim3A_166 = vector.broadcast %broadcast_in_dim3A_165 : i32 to vector<1x4xi32>
    %concatenate3A_167 = tpu.concatenate %convert_element_type3A_99, %broadcast_in_dim3A_166 in 1 : vector<1x8xi32>, vector<1x4xi32> -> vector<1x12xi32>
    %swap3A_168 = arith.constant 0 : index
    %swap3A_169 = arith.constant 0 : index
    %swap3A_170 = vector.load %arg5[%swap3A_168, %swap3A_169] : memref<1x12xi32, #tpu.memory_space<vmem>>, vector<1x12xi32>
    tpu.vector_store %arg5[%swap3A_168, %swap3A_169], %concatenate3A_167 {strides = array<i32>} : memref<1x12xi32, #tpu.memory_space<vmem>>, vector<1x12xi32>,
    return
  }
}

module attributes {stable_mosaic.version = 14 : i64} {
  func.func @_gmm_body(%arg0: i32, %arg1: memref<15x8xi32, #tpu.memory_space<smem>>, %arg2: memref<1x12xi32, #tpu.memory_space<smem>>, %arg3: memref<256x512xi32, #tpu.memory_space<vmem>>, %arg4: memref<8x1024x512xf32, #tpu.memory_space<any>>, %arg5: memref<8x1024x512xf32, #tpu.memory_space<any>>, %arg6: memref<8x512x1024xf32, #tpu.memory_space<any>>, %arg7: memref<256x1024xf32, #tpu.memory_space<vmem>>, %arg8: memref<3x1024x512xf32, #tpu.memory_space<vmem>>, %arg9: memref<3x1024x512xf32, #tpu.memory_space<vmem>>, %arg10: memref<3x512x1024xf32, #tpu.memory_space<vmem>>, %arg11: memref<3x!tpu.dma_semaphore, #tpu.memory_space<semaphore_mem>>, %arg12: memref<3x!tpu.dma_semaphore, #tpu.memory_space<semaphore_mem>>, %arg13: memref<3x!tpu.dma_semaphore, #tpu.memory_space<semaphore_mem>>) attributes {dimension_semantics = [#tpu.dimension_semantics<arbitrary>], iteration_bounds = array<i64: 15>, scalar_prefetch = 2 : i64, scratch_operands = 6 : i64, tpu.core_type = #tpu.core_type<tc>, window_params = [{transform_indices = @transform_0, window_bounds = array<i64: 256, 512>}, {}, {}, {}, {transform_indices = @transform_4, window_bounds = array<i64: 256, 1024>}]} {
    %get3A = arith.index_cast %arg0 : i32 to index
    %get3A_0 = arith.constant 0 : index
    %get3A_1 = memref.load %arg1[%get3A, %get3A_0] : memref<15x8xi32, #tpu.memory_space<smem>>
    %get3A_2 = arith.index_cast %arg0 : i32 to index
    %get3A_3 = arith.constant 1 : index
    %get3A_4 = memref.load %arg1[%get3A_2, %get3A_3] : memref<15x8xi32, #tpu.memory_space<smem>>
    %min3A = arith.constant 7 : i32
    %min3A_5 = arith.minsi %get3A_4, %min3A : i32
    %get3A_6 = arith.index_cast %arg0 : i32 to index
    %get3A_7 = arith.constant 2 : index
    %get3A_8 = memref.load %arg1[%get3A_6, %get3A_7] : memref<15x8xi32, #tpu.memory_space<smem>>
    %get3A_9 = arith.index_cast %arg0 : i32 to index
    %get3A_10 = arith.constant 3 : index
    %get3A_11 = memref.load %arg1[%get3A_9, %get3A_10] : memref<15x8xi32, #tpu.memory_space<smem>>
    %get3A_12 = arith.index_cast %arg0 : i32 to index
    %get3A_13 = arith.constant 4 : index
    %get3A_14 = memref.load %arg1[%get3A_12, %get3A_13] : memref<15x8xi32, #tpu.memory_space<smem>>
    %get3A_15 = arith.index_cast %arg0 : i32 to index
    %get3A_16 = arith.constant 5 : index
    %get3A_17 = memref.load %arg1[%get3A_15, %get3A_16] : memref<15x8xi32, #tpu.memory_space<smem>>
    %get3A_18 = arith.index_cast %arg0 : i32 to index
    %get3A_19 = arith.constant 6 : index
    %get3A_20 = memref.load %arg1[%get3A_18, %get3A_19] : memref<15x8xi32, #tpu.memory_space<smem>>
    %eq3A = arith.constant 0 : i32
    %eq3A_21 = arith.cmpi eq, %arg0, %eq3A : i32
    %convert_element_type3A = arith.extui %eq3A_21 : i1 to i32
    %cond3A = arith.constant 0 : i32
    %cond3A_22 = arith.cmpi ne, %convert_element_type3A, %cond3A : i32
    scf.if %cond3A_22 {
      %dma_start3A = arith.constant 0 : i32
      %dma_start3A_105 = arith.constant 0 : i32
      %dma_start3A_106 = tpu.memref_slice %arg11[%dma_start3A_105] : memref<3x!tpu.dma_semaphore, #tpu.memory_space<semaphore_mem>> -> memref<1x!tpu.dma_semaphore, #tpu.memory_space<semaphore_mem>>
      %dma_start3A_107 = tpu.memref_squeeze %dma_start3A_106 : memref<1x!tpu.dma_semaphore, #tpu.memory_space<semaphore_mem>> -> memref<!tpu.dma_semaphore, #tpu.memory_space<semaphore_mem>>
      %dma_start3A_108 = arith.constant 0 : i32
      %dma_start3A_109 = arith.constant 0 : i32
      %dma_start3A_110 = tpu.memref_slice %arg8[%dma_start3A, %dma_start3A_108, %dma_start3A_109] : memref<3x1024x512xf32, #tpu.memory_space<vmem>> -> memref<1x1024x512xf32, #tpu.memory_space<vmem>>
      %dma_start3A_111 = tpu.memref_squeeze %dma_start3A_110 : memref<1x1024x512xf32, #tpu.memory_space<vmem>> -> memref<1024x512xf32, #tpu.memory_space<vmem>>
      %dma_start3A_112 = arith.constant 0 : i32
      %dma_start3A_113 = arith.constant 0 : i32
      %dma_start3A_114 = tpu.memref_slice %arg4[%min3A_5, %dma_start3A_112, %dma_start3A_113] : memref<8x1024x512xf32, #tpu.memory_space<any>> -> memref<1x1024x512xf32, #tpu.memory_space<any>>
      %dma_start3A_115 = tpu.memref_squeeze %dma_start3A_114 : memref<1x1024x512xf32, #tpu.memory_space<any>> -> memref<1024x512xf32, #tpu.memory_space<any>>
      tpu.enqueue_dma source(%dma_start3A_115 : memref<1024x512xf32, #tpu.memory_space<any>>) target(%dma_start3A_111 : memref<1024x512xf32, #tpu.memory_space<vmem>>) target_semaphore(%dma_start3A_107 : memref<!tpu.dma_semaphore, #tpu.memory_space<semaphore_mem>>)
      %dma_start3A_116 = arith.constant 0 : i32
      %dma_start3A_117 = arith.constant 0 : i32
      %dma_start3A_118 = tpu.memref_slice %arg12[%dma_start3A_117] : memref<3x!tpu.dma_semaphore, #tpu.memory_space<semaphore_mem>> -> memref<1x!tpu.dma_semaphore, #tpu.memory_space<semaphore_mem>>
      %dma_start3A_119 = tpu.memref_squeeze %dma_start3A_118 : memref<1x!tpu.dma_semaphore, #tpu.memory_space<semaphore_mem>> -> memref<!tpu.dma_semaphore, #tpu.memory_space<semaphore_mem>>
      %dma_start3A_120 = arith.constant 0 : i32
      %dma_start3A_121 = arith.constant 0 : i32
      %dma_start3A_122 = tpu.memref_slice %arg9[%dma_start3A_116, %dma_start3A_120, %dma_start3A_121] : memref<3x1024x512xf32, #tpu.memory_space<vmem>> -> memref<1x1024x512xf32, #tpu.memory_space<vmem>>
      %dma_start3A_123 = tpu.memref_squeeze %dma_start3A_122 : memref<1x1024x512xf32, #tpu.memory_space<vmem>> -> memref<1024x512xf32, #tpu.memory_space<vmem>>
      %dma_start3A_124 = arith.constant 0 : i32
      %dma_start3A_125 = arith.constant 0 : i32
      %dma_start3A_126 = tpu.memref_slice %arg5[%min3A_5, %dma_start3A_124, %dma_start3A_125] : memref<8x1024x512xf32, #tpu.memory_space<any>> -> memref<1x1024x512xf32, #tpu.memory_space<any>>
      %dma_start3A_127 = tpu.memref_squeeze %dma_start3A_126 : memref<1x1024x512xf32, #tpu.memory_space<any>> -> memref<1024x512xf32, #tpu.memory_space<any>>
      tpu.enqueue_dma source(%dma_start3A_127 : memref<1024x512xf32, #tpu.memory_space<any>>) target(%dma_start3A_123 : memref<1024x512xf32, #tpu.memory_space<vmem>>) target_semaphore(%dma_start3A_119 : memref<!tpu.dma_semaphore, #tpu.memory_space<semaphore_mem>>)
      %dma_start3A_128 = arith.constant 0 : i32
      %dma_start3A_129 = arith.constant 0 : i32
      %dma_start3A_130 = tpu.memref_slice %arg13[%dma_start3A_129] : memref<3x!tpu.dma_semaphore, #tpu.memory_space<semaphore_mem>> -> memref<1x!tpu.dma_semaphore, #tpu.memory_space<semaphore_mem>>
      %dma_start3A_131 = tpu.memref_squeeze %dma_start3A_130 : memref<1x!tpu.dma_semaphore, #tpu.memory_space<semaphore_mem>> -> memref<!tpu.dma_semaphore, #tpu.memory_space<semaphore_mem>>
      %dma_start3A_132 = arith.constant 0 : i32
      %dma_start3A_133 = arith.constant 0 : i32
      %dma_start3A_134 = tpu.memref_slice %arg10[%dma_start3A_128, %dma_start3A_132, %dma_start3A_133] : memref<3x512x1024xf32, #tpu.memory_space<vmem>> -> memref<1x512x1024xf32, #tpu.memory_space<vmem>>
      %dma_start3A_135 = tpu.memref_squeeze %dma_start3A_134 : memref<1x512x1024xf32, #tpu.memory_space<vmem>> -> memref<512x1024xf32, #tpu.memory_space<vmem>>
      %dma_start3A_136 = arith.constant 0 : i32
      %dma_start3A_137 = arith.constant 0 : i32
      %dma_start3A_138 = tpu.memref_slice %arg6[%min3A_5, %dma_start3A_136, %dma_start3A_137] : memref<8x512x1024xf32, #tpu.memory_space<any>> -> memref<1x512x1024xf32, #tpu.memory_space<any>>
      %dma_start3A_139 = tpu.memref_squeeze %dma_start3A_138 : memref<1x512x1024xf32, #tpu.memory_space<any>> -> memref<512x1024xf32, #tpu.memory_space<any>>
      tpu.enqueue_dma source(%dma_start3A_139 : memref<512x1024xf32, #tpu.memory_space<any>>) target(%dma_start3A_135 : memref<512x1024xf32, #tpu.memory_space<vmem>>) target_semaphore(%dma_start3A_131 : memref<!tpu.dma_semaphore, #tpu.memory_space<semaphore_mem>>)
      %ge3A_140 = arith.constant 0 : i32
      %ge3A_141 = arith.cmpi sge, %get3A_20, %ge3A_140 : i32
      %convert_element_type3A_142 = arith.extui %ge3A_141 : i1 to i32
      %cond3A_143 = arith.constant 0 : i32
      %cond3A_144 = arith.cmpi ne, %convert_element_type3A_142, %cond3A_143 : i32
      scf.if %cond3A_144 {
        %dma_start3A_145 = arith.constant 1 : i32
        %dma_start3A_146 = arith.constant 1 : i32
        %dma_start3A_147 = tpu.memref_slice %arg11[%dma_start3A_146] : memref<3x!tpu.dma_semaphore, #tpu.memory_space<semaphore_mem>> -> memref<1x!tpu.dma_semaphore, #tpu.memory_space<semaphore_mem>>
        %dma_start3A_148 = tpu.memref_squeeze %dma_start3A_147 : memref<1x!tpu.dma_semaphore, #tpu.memory_space<semaphore_mem>> -> memref<!tpu.dma_semaphore, #tpu.memory_space<semaphore_mem>>
        %dma_start3A_149 = arith.constant 0 : i32
        %dma_start3A_150 = arith.constant 0 : i32
        %dma_start3A_151 = tpu.memref_slice %arg8[%dma_start3A_145, %dma_start3A_149, %dma_start3A_150] : memref<3x1024x512xf32, #tpu.memory_space<vmem>> -> memref<1x1024x512xf32, #tpu.memory_space<vmem>>
        %dma_start3A_152 = tpu.memref_squeeze %dma_start3A_151 : memref<1x1024x512xf32, #tpu.memory_space<vmem>> -> memref<1024x512xf32, #tpu.memory_space<vmem>>
        %dma_start3A_153 = arith.constant 0 : i32
        %dma_start3A_154 = arith.constant 0 : i32
        %dma_start3A_155 = tpu.memref_slice %arg4[%get3A_20, %dma_start3A_153, %dma_start3A_154] : memref<8x1024x512xf32, #tpu.memory_space<any>> -> memref<1x1024x512xf32, #tpu.memory_space<any>>
        %dma_start3A_156 = tpu.memref_squeeze %dma_start3A_155 : memref<1x1024x512xf32, #tpu.memory_space<any>> -> memref<1024x512xf32, #tpu.memory_space<any>>
        tpu.enqueue_dma source(%dma_start3A_156 : memref<1024x512xf32, #tpu.memory_space<any>>) target(%dma_start3A_152 : memref<1024x512xf32, #tpu.memory_space<vmem>>) target_semaphore(%dma_start3A_148 : memref<!tpu.dma_semaphore, #tpu.memory_space<semaphore_mem>>)
        %dma_start3A_157 = arith.constant 1 : i32
        %dma_start3A_158 = arith.constant 1 : i32
        %dma_start3A_159 = tpu.memref_slice %arg12[%dma_start3A_158] : memref<3x!tpu.dma_semaphore, #tpu.memory_space<semaphore_mem>> -> memref<1x!tpu.dma_semaphore, #tpu.memory_space<semaphore_mem>>
        %dma_start3A_160 = tpu.memref_squeeze %dma_start3A_159 : memref<1x!tpu.dma_semaphore, #tpu.memory_space<semaphore_mem>> -> memref<!tpu.dma_semaphore, #tpu.memory_space<semaphore_mem>>
        %dma_start3A_161 = arith.constant 0 : i32
        %dma_start3A_162 = arith.constant 0 : i32
        %dma_start3A_163 = tpu.memref_slice %arg9[%dma_start3A_157, %dma_start3A_161, %dma_start3A_162] : memref<3x1024x512xf32, #tpu.memory_space<vmem>> -> memref<1x1024x512xf32, #tpu.memory_space<vmem>>
        %dma_start3A_164 = tpu.memref_squeeze %dma_start3A_163 : memref<1x1024x512xf32, #tpu.memory_space<vmem>> -> memref<1024x512xf32, #tpu.memory_space<vmem>>
        %dma_start3A_165 = arith.constant 0 : i32
        %dma_start3A_166 = arith.constant 0 : i32
        %dma_start3A_167 = tpu.memref_slice %arg5[%get3A_20, %dma_start3A_165, %dma_start3A_166] : memref<8x1024x512xf32, #tpu.memory_space<any>> -> memref<1x1024x512xf32, #tpu.memory_space<any>>
        %dma_start3A_168 = tpu.memref_squeeze %dma_start3A_167 : memref<1x1024x512xf32, #tpu.memory_space<any>> -> memref<1024x512xf32, #tpu.memory_space<any>>
        tpu.enqueue_dma source(%dma_start3A_168 : memref<1024x512xf32, #tpu.memory_space<any>>) target(%dma_start3A_164 : memref<1024x512xf32, #tpu.memory_space<vmem>>) target_semaphore(%dma_start3A_160 : memref<!tpu.dma_semaphore, #tpu.memory_space<semaphore_mem>>)
        %dma_start3A_169 = arith.constant 1 : i32
        %dma_start3A_170 = arith.constant 1 : i32
        %dma_start3A_171 = tpu.memref_slice %arg13[%dma_start3A_170] : memref<3x!tpu.dma_semaphore, #tpu.memory_space<semaphore_mem>> -> memref<1x!tpu.dma_semaphore, #tpu.memory_space<semaphore_mem>>
        %dma_start3A_172 = tpu.memref_squeeze %dma_start3A_171 : memref<1x!tpu.dma_semaphore, #tpu.memory_space<semaphore_mem>> -> memref<!tpu.dma_semaphore, #tpu.memory_space<semaphore_mem>>
        %dma_start3A_173 = arith.constant 0 : i32
        %dma_start3A_174 = arith.constant 0 : i32
        %dma_start3A_175 = tpu.memref_slice %arg10[%dma_start3A_169, %dma_start3A_173, %dma_start3A_174] : memref<3x512x1024xf32, #tpu.memory_space<vmem>> -> memref<1x512x1024xf32, #tpu.memory_space<vmem>>
        %dma_start3A_176 = tpu.memref_squeeze %dma_start3A_175 : memref<1x512x1024xf32, #tpu.memory_space<vmem>> -> memref<512x1024xf32, #tpu.memory_space<vmem>>
        %dma_start3A_177 = arith.constant 0 : i32
        %dma_start3A_178 = arith.constant 0 : i32
        %dma_start3A_179 = tpu.memref_slice %arg6[%get3A_20, %dma_start3A_177, %dma_start3A_178] : memref<8x512x1024xf32, #tpu.memory_space<any>> -> memref<1x512x1024xf32, #tpu.memory_space<any>>
        %dma_start3A_180 = tpu.memref_squeeze %dma_start3A_179 : memref<1x512x1024xf32, #tpu.memory_space<any>> -> memref<512x1024xf32, #tpu.memory_space<any>>
        tpu.enqueue_dma source(%dma_start3A_180 : memref<512x1024xf32, #tpu.memory_space<any>>) target(%dma_start3A_176 : memref<512x1024xf32, #tpu.memory_space<vmem>>) target_semaphore(%dma_start3A_172 : memref<!tpu.dma_semaphore, #tpu.memory_space<semaphore_mem>>)
      } else {
      }
    } else {
    }
    %eq3A_23 = arith.constant 1 : i32
    %eq3A_24 = arith.cmpi eq, %get3A_11, %eq3A_23 : i32
    %ge3A = arith.constant 0 : i32
    %ge3A_25 = arith.cmpi sge, %get3A_14, %ge3A : i32
    %and3A = arith.andi %eq3A_24, %ge3A_25 : i1
    %convert_element_type3A_26 = arith.extui %and3A : i1 to i32
    %cond3A_27 = arith.constant 0 : i32
    %cond3A_28 = arith.cmpi ne, %convert_element_type3A_26, %cond3A_27 : i32
    scf.if %cond3A_28 {
      %dma_start3A = tpu.memref_slice %arg11[%get3A_17] : memref<3x!tpu.dma_semaphore, #tpu.memory_space<semaphore_mem>> -> memref<1x!tpu.dma_semaphore, #tpu.memory_space<semaphore_mem>>
      %dma_start3A_105 = tpu.memref_squeeze %dma_start3A : memref<1x!tpu.dma_semaphore, #tpu.memory_space<semaphore_mem>> -> memref<!tpu.dma_semaphore, #tpu.memory_space<semaphore_mem>>
      %dma_start3A_106 = arith.constant 0 : i32
      %dma_start3A_107 = arith.constant 0 : i32
      %dma_start3A_108 = tpu.memref_slice %arg8[%get3A_17, %dma_start3A_106, %dma_start3A_107] : memref<3x1024x512xf32, #tpu.memory_space<vmem>> -> memref<1x1024x512xf32, #tpu.memory_space<vmem>>
      %dma_start3A_109 = tpu.memref_squeeze %dma_start3A_108 : memref<1x1024x512xf32, #tpu.memory_space<vmem>> -> memref<1024x512xf32, #tpu.memory_space<vmem>>
      %dma_start3A_110 = arith.constant 0 : i32
      %dma_start3A_111 = arith.constant 0 : i32
      %dma_start3A_112 = tpu.memref_slice %arg4[%get3A_14, %dma_start3A_110, %dma_start3A_111] : memref<8x1024x512xf32, #tpu.memory_space<any>> -> memref<1x1024x512xf32, #tpu.memory_space<any>>
      %dma_start3A_113 = tpu.memref_squeeze %dma_start3A_112 : memref<1x1024x512xf32, #tpu.memory_space<any>> -> memref<1024x512xf32, #tpu.memory_space<any>>
      tpu.enqueue_dma source(%dma_start3A_113 : memref<1024x512xf32, #tpu.memory_space<any>>) target(%dma_start3A_109 : memref<1024x512xf32, #tpu.memory_space<vmem>>) target_semaphore(%dma_start3A_105 : memref<!tpu.dma_semaphore, #tpu.memory_space<semaphore_mem>>)
      %dma_start3A_114 = tpu.memref_slice %arg12[%get3A_17] : memref<3x!tpu.dma_semaphore, #tpu.memory_space<semaphore_mem>> -> memref<1x!tpu.dma_semaphore, #tpu.memory_space<semaphore_mem>>
      %dma_start3A_115 = tpu.memref_squeeze %dma_start3A_114 : memref<1x!tpu.dma_semaphore, #tpu.memory_space<semaphore_mem>> -> memref<!tpu.dma_semaphore, #tpu.memory_space<semaphore_mem>>
      %dma_start3A_116 = arith.constant 0 : i32
      %dma_start3A_117 = arith.constant 0 : i32
      %dma_start3A_118 = tpu.memref_slice %arg9[%get3A_17, %dma_start3A_116, %dma_start3A_117] : memref<3x1024x512xf32, #tpu.memory_space<vmem>> -> memref<1x1024x512xf32, #tpu.memory_space<vmem>>
      %dma_start3A_119 = tpu.memref_squeeze %dma_start3A_118 : memref<1x1024x512xf32, #tpu.memory_space<vmem>> -> memref<1024x512xf32, #tpu.memory_space<vmem>>
      %dma_start3A_120 = arith.constant 0 : i32
      %dma_start3A_121 = arith.constant 0 : i32
      %dma_start3A_122 = tpu.memref_slice %arg5[%get3A_14, %dma_start3A_120, %dma_start3A_121] : memref<8x1024x512xf32, #tpu.memory_space<any>> -> memref<1x1024x512xf32, #tpu.memory_space<any>>
      %dma_start3A_123 = tpu.memref_squeeze %dma_start3A_122 : memref<1x1024x512xf32, #tpu.memory_space<any>> -> memref<1024x512xf32, #tpu.memory_space<any>>
      tpu.enqueue_dma source(%dma_start3A_123 : memref<1024x512xf32, #tpu.memory_space<any>>) target(%dma_start3A_119 : memref<1024x512xf32, #tpu.memory_space<vmem>>) target_semaphore(%dma_start3A_115 : memref<!tpu.dma_semaphore, #tpu.memory_space<semaphore_mem>>)
      %dma_start3A_124 = tpu.memref_slice %arg13[%get3A_17] : memref<3x!tpu.dma_semaphore, #tpu.memory_space<semaphore_mem>> -> memref<1x!tpu.dma_semaphore, #tpu.memory_space<semaphore_mem>>
      %dma_start3A_125 = tpu.memref_squeeze %dma_start3A_124 : memref<1x!tpu.dma_semaphore, #tpu.memory_space<semaphore_mem>> -> memref<!tpu.dma_semaphore, #tpu.memory_space<semaphore_mem>>
      %dma_start3A_126 = arith.constant 0 : i32
      %dma_start3A_127 = arith.constant 0 : i32
      %dma_start3A_128 = tpu.memref_slice %arg10[%get3A_17, %dma_start3A_126, %dma_start3A_127] : memref<3x512x1024xf32, #tpu.memory_space<vmem>> -> memref<1x512x1024xf32, #tpu.memory_space<vmem>>
      %dma_start3A_129 = tpu.memref_squeeze %dma_start3A_128 : memref<1x512x1024xf32, #tpu.memory_space<vmem>> -> memref<512x1024xf32, #tpu.memory_space<vmem>>
      %dma_start3A_130 = arith.constant 0 : i32
      %dma_start3A_131 = arith.constant 0 : i32
      %dma_start3A_132 = tpu.memref_slice %arg6[%get3A_14, %dma_start3A_130, %dma_start3A_131] : memref<8x512x1024xf32, #tpu.memory_space<any>> -> memref<1x512x1024xf32, #tpu.memory_space<any>>
      %dma_start3A_133 = tpu.memref_squeeze %dma_start3A_132 : memref<1x512x1024xf32, #tpu.memory_space<any>> -> memref<512x1024xf32, #tpu.memory_space<any>>
      tpu.enqueue_dma source(%dma_start3A_133 : memref<512x1024xf32, #tpu.memory_space<any>>) target(%dma_start3A_129 : memref<512x1024xf32, #tpu.memory_space<vmem>>) target_semaphore(%dma_start3A_125 : memref<!tpu.dma_semaphore, #tpu.memory_space<semaphore_mem>>)
    } else {
    }
    %eq3A_29 = arith.constant 1 : i32
    %eq3A_30 = arith.cmpi eq, %get3A_11, %eq3A_29 : i32
    %convert_element_type3A_31 = arith.extui %eq3A_30 : i1 to i32
    %cond3A_32 = arith.constant 0 : i32
    %cond3A_33 = arith.cmpi ne, %convert_element_type3A_31, %cond3A_32 : i32
    scf.if %cond3A_33 {
      %dma_wait3A = tpu.memref_slice %arg11[%get3A_8] : memref<3x!tpu.dma_semaphore, #tpu.memory_space<semaphore_mem>> -> memref<1x!tpu.dma_semaphore, #tpu.memory_space<semaphore_mem>>
      %dma_wait3A_105 = tpu.memref_squeeze %dma_wait3A : memref<1x!tpu.dma_semaphore, #tpu.memory_space<semaphore_mem>> -> memref<!tpu.dma_semaphore, #tpu.memory_space<semaphore_mem>>
      %dma_wait3A_106 = arith.constant 0 : i32
      %dma_wait3A_107 = arith.constant 0 : i32
      %dma_wait3A_108 = tpu.memref_slice %arg8[%get3A_8, %dma_wait3A_106, %dma_wait3A_107] : memref<3x1024x512xf32, #tpu.memory_space<vmem>> -> memref<1x1024x512xf32, #tpu.memory_space<vmem>>
      %dma_wait3A_109 = tpu.memref_squeeze %dma_wait3A_108 : memref<1x1024x512xf32, #tpu.memory_space<vmem>> -> memref<1024x512xf32, #tpu.memory_space<vmem>>
      %dma_wait3A_110 = arith.constant 0 : i32
      %dma_wait3A_111 = arith.constant 0 : i32
      %dma_wait3A_112 = tpu.memref_slice %arg4[%min3A_5, %dma_wait3A_110, %dma_wait3A_111] : memref<8x1024x512xf32, #tpu.memory_space<any>> -> memref<1x1024x512xf32, #tpu.memory_space<any>>
      %dma_wait3A_113 = tpu.memref_squeeze %dma_wait3A_112 : memref<1x1024x512xf32, #tpu.memory_space<any>> -> memref<1024x512xf32, #tpu.memory_space<any>>
      tpu.wait_dma2 semaphore(%dma_wait3A_105 : memref<!tpu.dma_semaphore, #tpu.memory_space<semaphore_mem>>) src(%dma_wait3A_113 : memref<1024x512xf32, #tpu.memory_space<any>>) dst(%dma_wait3A_109 : memref<1024x512xf32, #tpu.memory_space<vmem>>)
      %dma_wait3A_114 = tpu.memref_slice %arg12[%get3A_8] : memref<3x!tpu.dma_semaphore, #tpu.memory_space<semaphore_mem>> -> memref<1x!tpu.dma_semaphore, #tpu.memory_space<semaphore_mem>>
      %dma_wait3A_115 = tpu.memref_squeeze %dma_wait3A_114 : memref<1x!tpu.dma_semaphore, #tpu.memory_space<semaphore_mem>> -> memref<!tpu.dma_semaphore, #tpu.memory_space<semaphore_mem>>
      %dma_wait3A_116 = arith.constant 0 : i32
      %dma_wait3A_117 = arith.constant 0 : i32
      %dma_wait3A_118 = tpu.memref_slice %arg9[%get3A_8, %dma_wait3A_116, %dma_wait3A_117] : memref<3x1024x512xf32, #tpu.memory_space<vmem>> -> memref<1x1024x512xf32, #tpu.memory_space<vmem>>
      %dma_wait3A_119 = tpu.memref_squeeze %dma_wait3A_118 : memref<1x1024x512xf32, #tpu.memory_space<vmem>> -> memref<1024x512xf32, #tpu.memory_space<vmem>>
      %dma_wait3A_120 = arith.constant 0 : i32
      %dma_wait3A_121 = arith.constant 0 : i32
      %dma_wait3A_122 = tpu.memref_slice %arg5[%min3A_5, %dma_wait3A_120, %dma_wait3A_121] : memref<8x1024x512xf32, #tpu.memory_space<any>> -> memref<1x1024x512xf32, #tpu.memory_space<any>>
      %dma_wait3A_123 = tpu.memref_squeeze %dma_wait3A_122 : memref<1x1024x512xf32, #tpu.memory_space<any>> -> memref<1024x512xf32, #tpu.memory_space<any>>
      tpu.wait_dma2 semaphore(%dma_wait3A_115 : memref<!tpu.dma_semaphore, #tpu.memory_space<semaphore_mem>>) src(%dma_wait3A_123 : memref<1024x512xf32, #tpu.memory_space<any>>) dst(%dma_wait3A_119 : memref<1024x512xf32, #tpu.memory_space<vmem>>)
      %dma_wait3A_124 = tpu.memref_slice %arg13[%get3A_8] : memref<3x!tpu.dma_semaphore, #tpu.memory_space<semaphore_mem>> -> memref<1x!tpu.dma_semaphore, #tpu.memory_space<semaphore_mem>>
      %dma_wait3A_125 = tpu.memref_squeeze %dma_wait3A_124 : memref<1x!tpu.dma_semaphore, #tpu.memory_space<semaphore_mem>> -> memref<!tpu.dma_semaphore, #tpu.memory_space<semaphore_mem>>
      %dma_wait3A_126 = arith.constant 0 : i32
      %dma_wait3A_127 = arith.constant 0 : i32
      %dma_wait3A_128 = tpu.memref_slice %arg10[%get3A_8, %dma_wait3A_126, %dma_wait3A_127] : memref<3x512x1024xf32, #tpu.memory_space<vmem>> -> memref<1x512x1024xf32, #tpu.memory_space<vmem>>
      %dma_wait3A_129 = tpu.memref_squeeze %dma_wait3A_128 : memref<1x512x1024xf32, #tpu.memory_space<vmem>> -> memref<512x1024xf32, #tpu.memory_space<vmem>>
      %dma_wait3A_130 = arith.constant 0 : i32
      %dma_wait3A_131 = arith.constant 0 : i32
      %dma_wait3A_132 = tpu.memref_slice %arg6[%min3A_5, %dma_wait3A_130, %dma_wait3A_131] : memref<8x512x1024xf32, #tpu.memory_space<any>> -> memref<1x512x1024xf32, #tpu.memory_space<any>>
      %dma_wait3A_133 = tpu.memref_squeeze %dma_wait3A_132 : memref<1x512x1024xf32, #tpu.memory_space<any>> -> memref<512x1024xf32, #tpu.memory_space<any>>
      tpu.wait_dma2 semaphore(%dma_wait3A_125 : memref<!tpu.dma_semaphore, #tpu.memory_space<semaphore_mem>>) src(%dma_wait3A_133 : memref<512x1024xf32, #tpu.memory_space<any>>) dst(%dma_wait3A_129 : memref<512x1024xf32, #tpu.memory_space<vmem>>)
    } else {
    }
    %get3A_34 = arith.constant 0 : index
    %get3A_35 = arith.index_cast %get3A_4 : i32 to index
    %get3A_36 = memref.load %arg2[%get3A_34, %get3A_35] : memref<1x12xi32, #tpu.memory_space<smem>>
    %add3A = arith.constant 1 : i32
    %add3A_37 = arith.addi %get3A_4, %add3A : i32
    %get3A_38 = arith.constant 0 : index
    %get3A_39 = arith.index_cast %add3A_37 : i32 to index
    %get3A_40 = memref.load %arg2[%get3A_38, %get3A_39] : memref<1x12xi32, #tpu.memory_space<smem>>
    %mul3A = arith.constant 256 : i32
    %mul3A_41 = arith.muli %get3A_1, %mul3A : i32
    %iota3A = tpu.iota {dimensions = array<i32: 0>} : vector<256x1xi32>
    %add3A_42 = vector.broadcast %mul3A_41 : i32 to vector<256x1xi32>
    %add3A_43 = arith.addi %add3A_42, %iota3A : vector<256x1xi32>
    %ge3A_44 = vector.broadcast %get3A_36 : i32 to vector<256x1xi32>
    %ge3A_45 = arith.cmpi sge, %add3A_43, %ge3A_44 : vector<256x1xi32>
    %lt3A = vector.broadcast %get3A_40 : i32 to vector<256x1xi32>
    %lt3A_46 = arith.cmpi slt, %add3A_43, %lt3A : vector<256x1xi32>
    %and3A_47 = arith.andi %ge3A_45, %lt3A_46 : vector<256x1xi1>
    %get3A_48 = arith.constant 0 : index
    %get3A_49 = arith.constant 0 : index
    %get3A_50 = vector.load %arg3[%get3A_48, %get3A_49] : memref<256x512xi32, #tpu.memory_space<vmem>>, vector<256x512xi32>
    %and3A_51 = arith.constant -65536 : i32
    %and3A_52 = vector.broadcast %and3A_51 : i32 to vector<256x512xi32>
    %and3A_53 = arith.andi %get3A_50, %and3A_52 : vector<256x512xi32>
    %bitcast_convert_type3A = tpu.bitcast %and3A_53 : vector<256x512xi32> -> vector<256x512xf32>
    %shift_left3A = arith.constant 16 : i32
    %shift_left3A_54 = vector.broadcast %shift_left3A : i32 to vector<256x512xi32>
    %shift_left3A_55 = arith.shli %get3A_50, %shift_left3A_54 : vector<256x512xi32>
    %bitcast_convert_type3A_56 = tpu.bitcast %shift_left3A_55 : vector<256x512xi32> -> vector<256x512xf32>
    %concatenate3A = tpu.concatenate %bitcast_convert_type3A, %bitcast_convert_type3A_56 in 1 : vector<256x512xf32>, vector<256x512xf32> -> vector<256x1024xf32>
    %jit3A = arith.constant 0.000000e+00 : f32
    %broadcast_in_dim3A = vector.shape_cast %and3A_47 : vector<256x1xi1> to vector<256x1xi1>
    %broadcast_in_dim3A_57 = vector.broadcast %broadcast_in_dim3A : vector<256x1xi1> to vector<256x1024xi1>
    %broadcast_in_dim3A_58 = vector.broadcast %jit3A : f32 to vector<256x1024xf32>
    %select_n3A = arith.select %broadcast_in_dim3A_57, %concatenate3A, %broadcast_in_dim3A_58 : vector<256x1024xi1>, vector<256x1024xf32>
    %convert_element_type3A_59 = arith.truncf %select_n3A : vector<256x1024xf32> to vector<256x1024xbf16>
    %get3A_60 = arith.index_cast %get3A_8 : i32 to index
    %get3A_61 = arith.constant 0 : index
    %get3A_62 = arith.constant 0 : index
    %get3A_63 = vector.load %arg8[%get3A_60, %get3A_61, %get3A_62] : memref<3x1024x512xf32, #tpu.memory_space<vmem>>, vector<1x1024x512xf32>
    %get3A_64 = vector.shape_cast %get3A_63 : vector<1x1024x512xf32> to vector<1024x512xf32>
    %convert_element_type3A_65 = arith.truncf %get3A_64 : vector<1024x512xf32> to vector<1024x512xbf16>
    %dot_general3A = arith.constant dense<0.000000e+00> : vector<256x512xf32>
    %dot_general3A_66 = tpu.matmul %convert_element_type3A_59, %convert_element_type3A_65, %dot_general3A {dimension_numbers = #tpu.dot_dimension_numbers<[1], [0], [0], [1], [0, 0, 1, 1], [], []>, transpose_lhs_hint = false} : vector<256x1024xbf16>, vector<1024x512xbf16>, vector<256x512xf32> -> vector<256x512xf32>
    %get3A_67 = arith.index_cast %get3A_8 : i32 to index
    %get3A_68 = arith.constant 0 : index
    %get3A_69 = arith.constant 0 : index
    %get3A_70 = vector.load %arg9[%get3A_67, %get3A_68, %get3A_69] : memref<3x1024x512xf32, #tpu.memory_space<vmem>>, vector<1x1024x512xf32>
    %get3A_71 = vector.shape_cast %get3A_70 : vector<1x1024x512xf32> to vector<1024x512xf32>
    %convert_element_type3A_72 = arith.truncf %get3A_71 : vector<1024x512xf32> to vector<1024x512xbf16>
    %dot_general3A_73 = arith.constant dense<0.000000e+00> : vector<256x512xf32>
    %dot_general3A_74 = tpu.matmul %convert_element_type3A_59, %convert_element_type3A_72, %dot_general3A_73 {dimension_numbers = #tpu.dot_dimension_numbers<[1], [0], [0], [1], [0, 0, 1, 1], [], []>, transpose_lhs_hint = false} : vector<256x1024xbf16>, vector<1024x512xbf16>, vector<256x512xf32> -> vector<256x512xf32>
    %logistic3A = arith.negf %dot_general3A_66 : vector<256x512xf32>
    %logistic3A_75 = math.exp %logistic3A : vector<256x512xf32>
    %logistic3A_76 = arith.constant 1.000000e+00 : f32
    %logistic3A_77 = vector.broadcast %logistic3A_76 : f32 to vector<256x512xf32>
    %logistic3A_78 = arith.addf %logistic3A_77, %logistic3A_75 : vector<256x512xf32>
    %logistic3A_79 = arith.divf %logistic3A_77, %logistic3A_78 : vector<256x512xf32>
    %mul3A_80 = arith.mulf %dot_general3A_66, %logistic3A_79 : vector<256x512xf32>
    %mul3A_81 = arith.mulf %mul3A_80, %dot_general3A_74 : vector<256x512xf32>
    %convert_element_type3A_82 = arith.truncf %mul3A_81 : vector<256x512xf32> to vector<256x512xbf16>
    %get3A_83 = arith.index_cast %get3A_8 : i32 to index
    %get3A_84 = arith.constant 0 : index
    %get3A_85 = arith.constant 0 : index
    %get3A_86 = vector.load %arg10[%get3A_83, %get3A_84, %get3A_85] : memref<3x512x1024xf32, #tpu.memory_space<vmem>>, vector<1x512x1024xf32>
    %get3A_87 = vector.shape_cast %get3A_86 : vector<1x512x1024xf32> to vector<512x1024xf32>
    %convert_element_type3A_88 = arith.truncf %get3A_87 : vector<512x1024xf32> to vector<512x1024xbf16>
    %dot_general3A_89 = arith.constant dense<0.000000e+00> : vector<256x1024xf32>
    %dot_general3A_90 = tpu.matmul %convert_element_type3A_82, %convert_element_type3A_88, %dot_general3A_89 {dimension_numbers = #tpu.dot_dimension_numbers<[1], [0], [0], [1], [0, 0, 1, 1], [], []>, transpose_lhs_hint = false} : vector<256x512xbf16>, vector<512x1024xbf16>, vector<256x1024xf32> -> vector<256x1024xf32>
    %eq3A_91 = arith.constant 0 : i32
    %eq3A_92 = arith.cmpi eq, %arg0, %eq3A_91 : i32
    %sub3A = arith.constant 1 : i32
    %sub3A_93 = arith.subi %arg0, %sub3A : i32
    %max3A = arith.constant 0 : i32
    %max3A_94 = arith.maxsi %sub3A_93, %max3A : i32
    %get3A_95 = arith.index_cast %max3A_94 : i32 to index
    %get3A_96 = arith.constant 0 : index
    %get3A_97 = memref.load %arg1[%get3A_95, %get3A_96] : memref<15x8xi32, #tpu.memory_space<smem>>
    %ne3A = arith.cmpi ne, %get3A_97, %get3A_1 : i32
    %or3A = arith.ori %eq3A_92, %ne3A : i1
    %convert_element_type3A_98 = arith.extui %or3A : i1 to i32
    %cond3A_99 = arith.constant 0 : i32
    %cond3A_100 = arith.cmpi ne, %convert_element_type3A_98, %cond3A_99 : i32
    scf.if %cond3A_100 {
      %swap3A = arith.constant 0 : index
      %swap3A_105 = arith.constant 0 : index
      %swap3A_106 = vector.load %arg7[%swap3A, %swap3A_105] : memref<256x1024xf32, #tpu.memory_space<vmem>>, vector<256x1024xf32>
      tpu.vector_store %arg7[%swap3A, %swap3A_105], %dot_general3A_90 {strides = array<i32>} : memref<256x1024xf32, #tpu.memory_space<vmem>>, vector<256x1024xf32>,
    } else {
    }
    %not3A = arith.constant true
    %not3A_101 = arith.xori %or3A, %not3A : i1
    %convert_element_type3A_102 = arith.extui %not3A_101 : i1 to i32
    %cond3A_103 = arith.constant 0 : i32
    %cond3A_104 = arith.cmpi ne, %convert_element_type3A_102, %cond3A_103 : i32
    scf.if %cond3A_104 {
      %get3A_105 = arith.constant 0 : index
      %get3A_106 = arith.constant 0 : index
      %get3A_107 = vector.load %arg7[%get3A_105, %get3A_106] : memref<256x1024xf32, #tpu.memory_space<vmem>>, vector<256x1024xf32>
      %add3A_108 = arith.addf %get3A_107, %dot_general3A_90 : vector<256x1024xf32>
      %swap3A = arith.constant 0 : index
      %swap3A_109 = arith.constant 0 : index
      %swap3A_110 = vector.load %arg7[%swap3A, %swap3A_109] : memref<256x1024xf32, #tpu.memory_space<vmem>>, vector<256x1024xf32>
      tpu.vector_store %arg7[%swap3A, %swap3A_109], %add3A_108 {strides = array<i32>} : memref<256x1024xf32, #tpu.memory_space<vmem>>, vector<256x1024xf32>,
    } else {
    }
    return
  }
  func.func @transform_0(%arg0: i32, %arg1: memref<15x8xi32, #tpu.memory_space<smem>>, %arg2: memref<1x12xi32, #tpu.memory_space<smem>>) -> (i32, i32) {
    %get3A = arith.index_cast %arg0 : i32 to index
    %get3A_0 = arith.constant 0 : index
    %get3A_1 = memref.load %arg1[%get3A, %get3A_0] : memref<15x8xi32, #tpu.memory_space<smem>>
    %c0_i32 = arith.constant 0 : i32
    %c0_i32_2 = arith.constant 0 : i32
    return %get3A_1, %c0_i32 : i32, i32
  }
  func.func @transform_4(%arg0: i32, %arg1: memref<15x8xi32, #tpu.memory_space<smem>>, %arg2: memref<1x12xi32, #tpu.memory_space<smem>>) -> (i32, i32) {
    %get3A = arith.index_cast %arg0 : i32 to index
    %get3A_0 = arith.constant 0 : index
    %get3A_1 = memref.load %arg1[%get3A, %get3A_0] : memref<15x8xi32, #tpu.memory_space<smem>>
    %c0_i32 = arith.constant 0 : i32
    %c0_i32_2 = arith.constant 0 : i32
    return %get3A_1, %c0_i32 : i32, i32
  }
}

</mosaic_0001>

<sc_bundles>
// kernel: kernel.5.cloned.1.call-start
scs
__scs_entry_jumppad:
0x0: {  	(pc) =	sbr.rel $0x88, $3  }
0x1: {  	(tag) =	ssettag $0x0;
	lr =	simm.s32 $0x1  }
0x2: {  	[smem:$0x3F9C] =	sst lr;
	_ =	strace $0xD0000000  }
0x3: {  	_ = 	snop  }
0x4: {  	_ = 	snop  }
0x5: {  	_ = 	snop  }
0x6: {  	_ = 	snop  }
0x7: {  	_ = 	snop  }
__scs_overlays_trampoline_lowered:
0x8: {  	[smem:$0x3FAB] =	sst s0  }
0x9: {  	[smem:$0x3FAC] =	sst s1  }
0xa: {  	[smem:$0x3FAD] =	sst s2  }
0xb: {  	[smem:$0x3FAE] =	sst s3  }
0xc: {  	[smem:$0x3FAF] =	sst s4  }
0xd: {  	[smem:$0x3FB0] =	sst s5  }
0xe: {  	[smem:$0x3FB1] =	sst s6  }
0xf: {  	[smem:$0x3FB2] =	sst s7  }
0x10: {  	[smem:$0x3FB3] =	sst s8  }
0x11: {  	[smem:$0x3FB4] =	sst s9;
	s0 =	simm.s32 @!p0 $0x0  }
0x12: {  	s1 =	sld [smem:$0x3F9A];
	s0 =	simm.s32 @p0 $0x1  }
0x13: {  	[smem:$0x3FB5] =	sst s0;
	s0 =	simm.s32 @!p1 $0x0  }
0x14: {  	s2 =	sld [smem:$0x3F99];
	s0 =	simm.s32 @p1 $0x1  }
0x15: {  	[smem:$0x3FB6] =	sst s0;
	s0 =	simm.s32 @!p2 $0x0  }
0x16: {  	s3 =	sld [smem:$0x3FDB];
	s0 =	simm.s32 @p2 $0x1  }
0x17: {  	s4 =	simm.s32 $0x1BF5;
	[smem:$0x3FB8] =	sst s0  }
0x18: {  	s0 =	sld [smem:$0x3F9B];
	_ =	swait.ge [sflag:s4], $0x0  }
0x19: {  	s7 =	sld [smem:$0x3F9C]  }
0x1a: {  	s8 =	sadd.s32 $0xFFFFE003, lr  }
0x1b: {  	s9 =	sadd.s32 $0xFFFFFEF7, lr;
	s5 =	simm.s32 $0xFFFFFFFF;
	p2 =	slt.u32 s8, $0xFFFFF086  }
0x1c: {  	p1 =	slt.u32 s9, $0xF7A;
	s5 =	simm.s32 @!p2 $0x0  }
0x1d: {  	s5 =	simm.s32 @p1 $0x1;
	p0 =	seq.s32 s7, s2  }
0x1e: {  	s7 =	smul.u32 @!p0 $0xF7A, s2;
	p2 =	seq.s32 @!p0 s5, $0x0  }
0x1f: {  	s9 =	smul.u32 $0xF7A, s1;
	s8 =	simm.s32 @!p0 $0x1BF5;
	p2 =	por !p2, p0  }
0x20: {  	[sflag:s8] =	ssyncset.s32 @!p0 $0xFFFFF086;
	s6 =	sadd.s32 @!p0 s3, s7;
	s7 =	simm.s32 @!p0 $0x108  }
0x21: {  	s3 =	sadd.s32 s3, s9;
	s6 =	sadd.s32 @!p0 $0x88, s6;
	s7 =	simm.s32 @p2 $0x1082  }
0x22: {  	[simem:s7], [sflag:s8] =	dma.local @!p0 [hbm:s6], $0xF7A  }
0x23: {  	s9 =	sor.u32 $0xD0000000, s2;
	s6 =	simm.s32 $0x108;
	_ =	swait.ge @!p0 [sflag:s8], $0x0  }
0x24: {  	s3 =	sadd.s32 $0x88, s3;
	s6 =	simm.s32 @!p1 $0x1082;
	[sflag:s4] =	ssyncset.s32 $0xFFFFF086  }
0x25: {  	[simem:s6], [sflag:s4] =	dma.local [hbm:s3], $0xF7A  }
0x26: {  	[smem:$0x3F9C] =	sst s1;
	(tag) =	ssettag s2;
	_ =	strace s9  }
0x27: {  	s1 =	sld [smem:$0x3FAC]  }
0x28: {  	s2 =	sld [smem:$0x3FAD]  }
0x29: {  	s4 =	sld [smem:$0x3FAF]  }
0x2a: {  	p0 =	seq.s32 s5, $0x0;
	s5 =	sld [smem:$0x3FB0]  }
0x2b: {  	s6 =	sld [smem:$0x3FB1]  }
0x2c: {  	s7 =	sld [smem:$0x3FB2]  }
0x2d: {  	s3 =	simm.s32 $0x108;
	s8 =	sld [smem:$0x3FB3]  }
0x2e: {  	s3 =	simm.s32 @!p0 $0x1082;
	s9 =	sld [smem:$0x3FB4]  }
0x2f: {  	lr =	sadd.s32 s0, s3;
	s0 =	sld [smem:$0x3FAB]  }
0x30: {  	s3 =	sld [smem:$0x3FAE]  }
0x31: {  	[smem:$0x3FB7] =	sst s10  }
0x32: {  	s10 =	sld [smem:$0x3FB5];
	_ =	sdelay $0x3  }
0x33: {  	p0 =	seq.s32 s10, $0x1;
	s10 =	sld [smem:$0x3FB7];
	_ =	sdelay $0x3  }
0x34: {  	[smem:$0x3FB7] =	sst s10  }
0x35: {  	s10 =	sld [smem:$0x3FB6];
	_ =	sdelay $0x3  }
0x36: {  	p1 =	seq.s32 s10, $0x1;
	s10 =	sld [smem:$0x3FB7];
	_ =	sdelay $0x3  }
0x37: {  	[smem:$0x3FB7] =	sst s10  }
0x38: {  	s10 =	sld [smem:$0x3FB8]  }
0x39: {  	_ = 	snop;
	(pc) =	sbr.ind lr, $3  }
0x3a: {  	_ = 	snop  }
0x3b: {  	_ = 	snop  }
0x3c: {  	p2 =	seq.s32 s10, $0x1;
	s10 =	sld [smem:$0x3FB7]  }
0x3d: {  	_ =	shalt  }
0x3e: {  	_ =	shalt  }
0x3f: {  	_ =	shalt  }
0x40: {  	_ =	shalt  }
0x41: {  	_ =	shalt  }
0x42: {  	_ =	shalt  }
0x43: {  	_ =	shalt  }
0x44: {  	_ =	shalt  }
0x45: {  	_ =	shalt  }
0x46: {  	_ =	shalt  }
0x47: {  	_ =	shalt  }
0x48: {  	_ =	shalt  }
0x49: {  	_ =	shalt  }
0x4a: {  	_ =	shalt  }
0x4b: {  	_ =	shalt  }
0x4c: {  	_ =	shalt  }
0x4d: {  	_ =	shalt  }
0x4e: {  	_ =	shalt  }
0x4f: {  	_ =	shalt  }
0x50: {  	_ =	shalt  }
0x51: {  	_ =	shalt  }
0x52: {  	_ =	shalt  }
0x53: {  	_ =	shalt  }
0x54: {  	_ =	shalt  }
0x55: {  	_ =	shalt  }
0x56: {  	_ =	shalt  }
0x57: {  	_ =	shalt  }
0x58: {  	_ =	shalt  }
0x59: {  	_ =	shalt  }
0x5a: {  	_ =	shalt  }
0x5b: {  	_ =	shalt  }
0x5c: {  	_ =	shalt  }
0x5d: {  	_ =	shalt  }
0x5e: {  	_ =	shalt  }
0x5f: {  	_ =	shalt  }
0x60: {  	_ =	shalt  }
0x61: {  	_ =	shalt  }
0x62: {  	_ =	shalt  }
0x63: {  	_ =	shalt  }
0x64: {  	_ =	shalt  }
0x65: {  	_ =	shalt  }
0x66: {  	_ =	shalt  }
0x67: {  	_ =	shalt  }
0x68: {  	_ =	shalt  }
0x69: {  	_ =	shalt  }
0x6a: {  	_ =	shalt  }
0x6b: {  	_ =	shalt  }
0x6c: {  	_ =	shalt  }
0x6d: {  	_ =	shalt  }
0x6e: {  	_ =	shalt  }
0x6f: {  	_ =	shalt  }
0x70: {  	_ =	shalt  }
0x71: {  	_ =	shalt  }
0x72: {  	_ =	shalt  }
0x73: {  	_ =	shalt  }
0x74: {  	_ =	shalt  }
0x75: {  	_ =	shalt  }
0x76: {  	_ =	shalt  }
0x77: {  	_ =	shalt  }
0x78: {  	_ =	shalt  }
0x79: {  	_ =	shalt  }
0x7a: {  	_ =	shalt  }
0x7b: {  	_ =	shalt  }
0x7c: {  	_ =	shalt  }
0x7d: {  	_ =	shalt  }
0x7e: {  	_ =	shalt  }
0x7f: {  	_ =	shalt  }
0x80: {  	_ =	shalt  }
0x81: {  	_ =	shalt  }
0x82: {  	_ =	shalt  }
0x83: {  	_ =	shalt  }
0x84: {  	_ =	shalt  }
0x85: {  	_ =	shalt  }
0x86: {  	_ =	shalt  }
0x87: {  	_ =	shalt  }
.Lfunc_end0:
.L_simem_size_0:
called_computation_lowered:
.L_overlay_start_0:
0x88: {  	s2 =	sld [smem:$0x3FD9]  }
0x89: {  	s3 =	sld [smem:$0x3FFE];
	_ =	sdelay $0x1  }
0x8a: {  	s1 =	srdreg.scid  }
0x8b: {  	s0 =	sand.u32 $0x1, s1  }
0x8c: {  	s17 =	sshll.u32 s0, $0xA;
	s2 =	sadd.s32 s3, s2  }
0x8d: {  	s2 =	sadd.s32 s2, s17  }
0x8e: {  	[smem:$0x3FC3] =	sst s2  }
0x8f: {  	_ = 	snop  }
0x90: {  	s2 =	sld [smem:$0x3FD0];
	(tm) =	ssettm $0x1  }
0x91: {  	s18 =	sld [smem:$0x3FFB];
	_ =	sdelay $0x3  }
0x92: {  	_ =	strace s18  }
0x93: {  	s3 =	sld [smem:$0x3FFC];
	_ =	sdelay $0x3  }
0x94: {  	_ =	strace s3  }
0x95: {  	s3 =	sld [smem:$0x3FFD];
	_ =	sdelay $0x3  }
0x96: {  	_ =	strace s3  }
0x97: {  	_ =	strace $0x8FFFFFFF  }
0x98: {  	s19 =	sld [smem:$0x3FDB];
	_ =	sdelay $0x1  }
0x99: {  	s4 =	simm.s32 $_scs_section_size  }
0x9a: {  	s5 =	simm.s32 $_size__tile_overlayer_lowered;
	s6 =	simm.s32 $_tile_overlayer_lowered  }
0x9b: {  	s22 =	simm.s32 $0x1BFF;
	s21 =	sshll.u32 s6, $0x1;
	s3 =	sadd.s32 s4, s19  }
0x9c: {  	s7 =	simm.s32 $0x0;
	s20 =	sshll.u32 s5, $0x1;
	s5 =	sadd.s32 s21, s3  }
0x9d: {  	[timem:s7], [sflag:s22] =	dma.local [hbm:s5], s20  }
0x9e: {  	_ =	swait.ge [sflag:s22], s20  }
0x9f: {  	s4 =	ssub.s32 $0x0, s20;
	[sflag:s22] =	ssyncset.done $0x0  }
0xa0: {  	[sflag:s22] =	ssyncadd.s32 s4;
	_ =	sdelay $0x1  }
0xa1: {  	s23 =	simm.s32 $0x1B8B  }
0xa2: {  	_ =	swait.ge [sflag:s23], $0x1  }
0xa3: {  	[sflag:s23] =	ssyncset.done $0x0  }
0xa4: {  	s25 =	simm.s32 $0x1B8E;
	s24 =	sld [smem:$0x3FFE];
	[sflag:s23] =	ssyncadd.s32 $0xFFFFFFFF  }
0xa5: {  	s26 =	simm.s32 $execute0_lowered;
	[smem:$0x3FD2] =	sst s25  }
0xa6: {  	s5 =	sshll.u32 s26, $0x1;
	_ =	strace $0x80000046;
	[dreg:$0x1] =	wrdreg $0xFFFFFFFF  }
0xa7: {  	s28 =	simm.s32 $_size_execute0_lowered;
	s3 =	sadd.s32 s3, s5;
	[dreg:$0x0] =	wrdreg $0x0  }
0xa8: {  	s5 =	sshll.u32 s28, $0x1;
	[dreg:$0x2] =	wrdreg s3  }
0xa9: {  	[dreg:$0x3] =	wrdreg s5  }
0xaa: {  	[dreg:$0x4] =	wrdreg $0xC0  }
0xab: {  	_ =	task [dreg:s7], $0x5FFFF  }
0xac: {  	[dreg:$0x1] =	wrdreg $0xFFFFFFFF  }
0xad: {  	[dreg:$0x0] =	wrdreg $0x60  }
0xae: {  	[dreg:$0x2] =	wrdreg s2  }
0xaf: {  	[dreg:$0x3] =	wrdreg s24  }
0xb0: {  	[dreg:$0x4] =	wrdreg $0x9  }
0xb1: {  	_ =	task.clear_ibuf [dreg:s7], $0x5FFFF;
	_ =	strace $0x90000046  }
0xb2: {  	s29 =	simm.s32 $0x9;
	_ =	strace $0x80000048  }
0xb3: {  	_ =	swait.ge [sflag:s29], $0x1  }
0xb4: {  	[sflag:s29] =	ssyncadd.s32 $0xFFFFFFFF  }
0xb5: {  	_ =	strace $0x90000048  }
0xb6: {  	_ =	sfence  }
0xb7: {  	s30 =	sld [smem:$0x0];
	_ =	sdelay $0x2  }
0xb8: {  	s31 =	sshll.u32 s1, $0xD;
	s1 =	sshrl.u32 s1, $0x2  }
0xb9: {  	s3 =	sand.u32 $0x4000, s31;
	s1 =	sadd.s32 s1, s30  }
0xba: {  	s0 =	sor.u32 s3, s0;
	s1 =	sshll.u32 s1, $0x11  }
0xbb: {  	s0 =	sor.u32 s1, s0  }
0xbc: {  	s0 =	sadd.s32 $0x8F2B, s0  }
0xbd: {  	[sflag:s0] =	ssyncadd.remote.s32 $0x1  }
0xbe: {  	_ =	sfence.sel $0xFFFF  }
0xbf: {  	[dreg:$0x0] =	wrdreg $0xFFFFFFFF;
	(pc) =	sbr.abs _section_cstart, $3  }
0xc0: {  	[dreg:$0x1] =	wrdreg $0xFFFFFFFF  }
0xc1: {  	_ =	task.clear_ibuf [dreg:s7], $0x2FFFF;
	_ =	strace $0x9FFFFFFF  }
0xc2: {  	(tm) =	ssettm $0x7FFFFFFF  }
0xc3: {  	_ =	shalt  }
tec
execute0_lowered:
.L_overlay_start_1:
0x0: {  	(tag) =	ssettag $0x1  }
0x1: {  	s5 =	rddreg [dreg:$0x0]  }
0x2: {  	s6 =	rddreg [dreg:$0x1]  }
0x3: {  	s0 =	rddreg [dreg:$0x2];
	s3 =	srdreg.scid  }
0x4: {  	s2 =	simm.s32 $0x0;
	s1 =	stileid.u32;
	s10 =	simm.s32 $0x880  }
0x5: {  	s11 =	simm.s32 $0x1080;
	s12 =	simm.s32 $0x1880;
	s13 =	simm.s32 $0x2080  }
0x6: {  	s14 =	simm.s32 $0x2880;
	s15 =	simm.s32 $0x3080;
	s16 =	simm.s32 $0x3880  }
0x7: {  	s17 =	simm.s32 $0x4080;
	s18 =	simm.s32 $0x4880;
	s19 =	simm.s32 $0x5080  }
0x8: {  	s20 =	simm.s32 $0x5880;
	s21 =	simm.s32 $0x6080;
	s22 =	simm.s32 $0x6880  }
0x9: {  	s23 =	simm.s32 $0x7080;
	s24 =	simm.s32 $0x7880;
	s25 =	simm.s32 $0x1  }
0xa: {  	s3 =	sand.u32 $0x1, s3;
	[smem:$0x7FF] =	sst s2;
	s4 =	sshll.u32 s1, $0x7  }
0xb: {  	s7 =	sshll.u32 s3, $0x6;
	_ =	strace $0x80000047;
	s8 =	ssub.s32 $0x2, s3  }
0xc: {  	s3 =	sadd.s32 $0x200, s6;
	s7 =	sor.u32 s7, s4;
	s31 =	sshrl.u32 s8, $0x1  }
0xd: {  	v2 =	vlaneseq.u32;
	s9 =	sshrl.u32 s7, $0x3;
	s8 =	ssub.s32 s8, s31;
	s7 =	sshll.u32 s7, $0x6  }
0xe: {  	vm0 =	vmmov $0xffff;
	v1 =	vshrl.u32 v2, $0x3;
	s4 =	sadd.s32 s6, s9;
	s5 =	sadd.s32 s5, s7;
	s6 =	sadd.s32 $0x300, s6  }
0xf: {  	v0 =	vand.u32 $0x7, v2;
	v2 =	vor.u32 $0x8, v2;
	v1 =	vmul.u32 $0x8, v1;
	s7 =	smax.u32 s8, $0x1;
	s8 =	simm.s32 $0x2;
	s9 =	simm.s32 $0x80  }
.LBB2_1:
0x10: {  	[tilespmem:s2], [sflag:$0x2] =	stream.linear.gather [hbm4b:s4+s2], $0x40, $0x38;
	[tilespmem:$0x8080] =	vst v63  }
0x11: {  	_ =	swait.ge [sflag:s8], $0x40  }
0x12: {  	[sflag:s8] =	ssyncset.done $0x0  }
0x13: {  	[sflag:s8] =	ssyncadd.s32 $0xFFFFFFC0  }
0x14: {  	[tilespmem:s9], [sflag:$0x2] =	stream.linear.gather [hbm4b:s5+s2], $0x8000, $0x38;
	[tilespmem:$0x8080] =	vst v63  }
0x15: {  	_ =	swait.ge [sflag:s8], $0x8000  }
0x16: {  	[sflag:s8] =	ssyncset.done $0x0  }
0x17: {  	[sflag:s8] =	ssyncadd.s32 $0xFFFF8000  }
0x18: {  	v3 =	vld [tilespmem:$0x0];
	_ =	sdelay $0x4  }
0x19: {  	v4 =	vshll.u32 v3, $0x2  }
0x1a: {  	v3 =	vand.u32 $0x7, v3;
	v4 =	vand.u32 $0xFFFFFFE0, v4  }
0x1b: {  	v3 =	vor.u32 v3, v4  }
0x1c: {  	v4 =	vperm.xlane v3, v0;
	_ =	sdelay $0x1  }
0x1d: {  	v4 =	vadd.s32 v1, v4;
	_ =	sdelay $0x1  }
0x1e: {  	v3 =	vperm.xlane v3, v2;
	_ =	sdelay $0x1  }
0x1f: {  	v3 =	vadd.s32 v1, v3  }
0x20: {  	[hbm4b:s3+s2] =	stream.indirect_vreg.scatter [tilespmem:s9], [sflag:$0x1], $0x80, v4, vm0, $0xb8;
	[tilespmem:$0x8080] =	vst v63  }
0x21: {  	_ = 	snop  }
0x22: {  	[hbm4b:s6+s2] =	stream.indirect_vreg.scatter [tilespmem:s10], [sflag:$0x1], $0x80, v4, vm0, $0xb8;
	[tilespmem:$0x8080] =	vst v63  }
0x23: {  	_ = 	snop  }
0x24: {  	[hbm4b:s3+s2] =	stream.indirect_vreg.scatter [tilespmem:s11], [sflag:$0x1], $0x80, v3, vm0, $0xb8;
	[tilespmem:$0x8080] =	vst v63  }
0x25: {  	_ = 	snop  }
0x26: {  	[hbm4b:s6+s2] =	stream.indirect_vreg.scatter [tilespmem:s12], [sflag:$0x1], $0x80, v3, vm0, $0xb8;
	[tilespmem:$0x8080] =	vst v63  }
0x27: {  	v3 =	vld [tilespmem:$0x10];
	_ =	sdelay $0x4  }
0x28: {  	v61 =	vshll.u32 v3, $0x2  }
0x29: {  	v3 =	vand.u32 $0x7, v3;
	v4 =	vand.u32 $0xFFFFFFE0, v61  }
0x2a: {  	v3 =	vor.u32 v3, v4  }
0x2b: {  	v4 =	vperm.xlane v3, v0;
	_ =	sdelay $0x1  }
0x2c: {  	v4 =	vadd.s32 v1, v4;
	_ =	sdelay $0x1  }
0x2d: {  	v3 =	vperm.xlane v3, v2;
	_ =	sdelay $0x1  }
0x2e: {  	v3 =	vadd.s32 v1, v3  }
0x2f: {  	[hbm4b:s3+s2] =	stream.indirect_vreg.scatter [tilespmem:s13], [sflag:$0x1], $0x80, v4, vm0, $0xb8;
	[tilespmem:$0x8080] =	vst v63  }
0x30: {  	_ = 	snop  }
0x31: {  	[hbm4b:s6+s2] =	stream.indirect_vreg.scatter [tilespmem:s14], [sflag:$0x1], $0x80, v4, vm0, $0xb8;
	[tilespmem:$0x8080] =	vst v63  }
0x32: {  	_ = 	snop  }
0x33: {  	[hbm4b:s3+s2] =	stream.indirect_vreg.scatter [tilespmem:s15], [sflag:$0x1], $0x80, v3, vm0, $0xb8;
	[tilespmem:$0x8080] =	vst v63  }
0x34: {  	_ = 	snop  }
0x35: {  	[hbm4b:s6+s2] =	stream.indirect_vreg.scatter [tilespmem:s16], [sflag:$0x1], $0x80, v3, vm0, $0xb8;
	[tilespmem:$0x8080] =	vst v63  }
0x36: {  	v3 =	vld [tilespmem:$0x20];
	_ =	sdelay $0x4  }
0x37: {  	v62 =	vshll.u32 v3, $0x2  }
0x38: {  	v3 =	vand.u32 $0x7, v3;
	v4 =	vand.u32 $0xFFFFFFE0, v62  }
0x39: {  	v3 =	vor.u32 v3, v4  }
0x3a: {  	v4 =	vperm.xlane v3, v0;
	_ =	sdelay $0x1  }
0x3b: {  	v4 =	vadd.s32 v1, v4;
	_ =	sdelay $0x1  }
0x3c: {  	v3 =	vperm.xlane v3, v2;
	_ =	sdelay $0x1  }
0x3d: {  	v3 =	vadd.s32 v1, v3  }
0x3e: {  	[hbm4b:s3+s2] =	stream.indirect_vreg.scatter [tilespmem:s17], [sflag:$0x1], $0x80, v4, vm0, $0xb8;
	[tilespmem:$0x8080] =	vst v63  }
0x3f: {  	_ = 	snop  }
0x40: {  	[hbm4b:s6+s2] =	stream.indirect_vreg.scatter [tilespmem:s18], [sflag:$0x1], $0x80, v4, vm0, $0xb8;
	[tilespmem:$0x8080] =	vst v63  }
0x41: {  	_ = 	snop  }
0x42: {  	[hbm4b:s3+s2] =	stream.indirect_vreg.scatter [tilespmem:s19], [sflag:$0x1], $0x80, v3, vm0, $0xb8;
	[tilespmem:$0x8080] =	vst v63  }
0x43: {  	_ = 	snop  }
0x44: {  	[hbm4b:s6+s2] =	stream.indirect_vreg.scatter [tilespmem:s20], [sflag:$0x1], $0x80, v3, vm0, $0xb8;
	[tilespmem:$0x8080] =	vst v63  }
0x45: {  	v3 =	vld [tilespmem:$0x30];
	_ =	sdelay $0x4  }
0x46: {  	v63 =	vshll.u32 v3, $0x2  }
0x47: {  	v3 =	vand.u32 $0x7, v3;
	v4 =	vand.u32 $0xFFFFFFE0, v63  }
0x48: {  	v3 =	vor.u32 v3, v4  }
0x49: {  	v4 =	vperm.xlane v3, v0;
	_ =	sdelay $0x1  }
0x4a: {  	v4 =	vadd.s32 v1, v4;
	_ =	sdelay $0x1  }
0x4b: {  	v3 =	vperm.xlane v3, v2;
	_ =	sdelay $0x1  }
0x4c: {  	v3 =	vadd.s32 v1, v3  }
0x4d: {  	[hbm4b:s3+s2] =	stream.indirect_vreg.scatter [tilespmem:s21], [sflag:$0x1], $0x80, v4, vm0, $0xb8;
	[tilespmem:$0x8080] =	vst v63  }
0x4e: {  	_ = 	snop  }
0x4f: {  	[hbm4b:s6+s2] =	stream.indirect_vreg.scatter [tilespmem:s22], [sflag:$0x1], $0x80, v4, vm0, $0xb8;
	[tilespmem:$0x8080] =	vst v63  }
0x50: {  	p0 =	sne.s32 s7, $0x1  }
0x51: {  	[hbm4b:s3+s2] =	stream.indirect_vreg.scatter [tilespmem:s23], [sflag:$0x1], $0x80, v3, vm0, $0xb8;
	[tilespmem:$0x8080] =	vst v63  }
.Ltmp0:
0x52: {  	_ = 	snop;
	(pc) =	sbr.rel @p0 .LBB2_1-.Ltmp0, $4  }
0x53: {  	[hbm4b:s6+s2] =	stream.indirect_vreg.scatter [tilespmem:s24], [sflag:$0x1], $0x80, v3, vm0, $0xb8;
	[tilespmem:$0x8080] =	vst v63  }
0x54: {  	_ =	swait.ge [sflag:s25], $0x8000  }
0x55: {  	[sflag:s25] =	ssyncset.done $0x0  }
0x56: {  	s7 =	sadd.s32 $0xFFFFFFFF, s7;
	[sflag:s25] =	ssyncadd.s32 $0xFFFF8000  }
0x57: {  	_ =	sfence.sel $0x180000  }
0x58: {  	[bflag:$0x0] =	sbarrier.arrive $0xFFFF  }
0x59: {  	p0 =	sne.s32 s1, $0x0;
	_ =	strace $0x90000047  }
0x5a: {  	s0 =	sadd.s32 @!p0 $0x100000, s0;
	[bflag:$0x2] =	sbarrier.arrive $0xFFFF  }
0x5b: {  	[sflag:s0] =	ssyncadd.tile.s32 @!p0 $0x1;
	_ =	shalt  }
.Lfunc_end2:
_tile_overlayer_lowered:
.L_overlay_start_2:
0x5c: {  	(tag) =	ssettag $0x2  }
0x5d: {  	s0 =	rddreg [dreg:$0x0];
	s2 =	stileid.u32  }
0x5e: {  	s1 =	rddreg [dreg:$0x1];
	p0 =	sne.s32 s2, $0x0  }
0x5f: {  	s3 =	rddreg [dreg:$0x2];
	[bflag:$0x3] =	sbarrier.arrive $0xFFFF;
	s2 =	simm.s32 @!p0 $0x1C02  }
0x60: {  	[timem:s3], [sflag:s2] =	dma.local @!p0 [hbm:s0], s1  }
0x61: {  	s0 =	simm.s32 @!p0 $0x2  }
0x62: {  	_ =	swait.ge @!p0 [sflag:s0], s1  }
0x63: {  	s1 =	ssub.s32 @!p0 $0x0, s1;
	[sflag:s0] =	ssyncset.done @!p0 $0x0  }
0x64: {  	[sflag:s0] =	ssyncadd.s32 @!p0 s1  }
0x65: {  	[bflag:$0x3] =	sbarrier.arrive $0xFFFF  }
0x66: {  	_ =	shalt  }

</sc_bundles>
